<compile_context>
chip_gen: v7x
topology: tpu7x:2x2x1
jax: 0.10.2.dev20260603
libtpu: 0.0.44.dev20260713+nightly
codegen_flags: <defaults>
</compile_context>

<pallas_src>
import functools

import jax
import jax.numpy as jnp
from jax import lax
from jax.experimental import pallas as pl
from jax.experimental.pallas import tpu as pltpu
from jax.experimental.pallas import tpu_sc as plsc

_L = 16


def _prep_body(w_ref, cdf_ref):
    w = w_ref[:, 1:-1] + 1e-05
    S = w_ref.shape[1]
    kk = lax.broadcasted_iota(jnp.int32, (S - 2, S), 0)
    jj = lax.broadcasted_iota(jnp.int32, (S - 2, S), 1)
    tri = jnp.where(kk <= jj - 2, 1.0, 0.0)
    cs = lax.dot(w, tri, preferred_element_type=jnp.float32)
    cdf_ref[...] = cs / cs[:, -1:]


def _sc_chains(cdf_v, z_v, u_v, out_v, kmax, chains):
    uu = [u_v[r, pl.ds(j * _L, _L)] for (r, _, j) in chains]
    pos = [jnp.zeros((_L,), jnp.int32) for _ in chains]
    for w in (128, 64, 32, 16, 8, 4, 2, 1):
        cand = [p + w for p in pos]
        idx = [jnp.minimum(c, kmax) for c in cand]
        cv = [plsc.load_gather(cdf_v, [rv, ix])
              for (_, rv, _), ix in zip(chains, idx)]
        pos = [jnp.where(c <= un, cn, p)
               for c, un, cn, p in zip(cv, uu, cand, pos)]
    pp = [jnp.minimum(p + 1, kmax) for p in pos]
    bb = [jnp.minimum(p, kmax - 1) for p in pos]
    c0 = [plsc.load_gather(cdf_v, [rv, p])
          for (_, rv, _), p in zip(chains, pos)]
    c1 = [plsc.load_gather(cdf_v, [rv, p])
          for (_, rv, _), p in zip(chains, pp)]
    za = [plsc.load_gather(z_v, [rv, p - 1])
          for (_, rv, _), p in zip(chains, pos)]
    zb = [plsc.load_gather(z_v, [rv, p])
          for (_, rv, _), p in zip(chains, pos)]
    zc = [plsc.load_gather(z_v, [rv, p])
          for (_, rv, _), p in zip(chains, bb)]
    zd = [plsc.load_gather(z_v, [rv, p + 1])
          for (_, rv, _), p in zip(chains, bb)]
    for t_i, (r, _, j) in enumerate(chains):
        s0 = za[t_i] + zb[t_i]
        s1 = zc[t_i] + zd[t_i]
        denom = c1[t_i] - c0[t_i]
        denom = jnp.where(denom < 1e-05, 1.0, denom)
        t = (uu[t_i] - c0[t_i]) / denom
        out_v[r, pl.ds(j * _L, _L)] = 0.5 * (s0 + t * (s1 - s0))


def _sc_body(num_rays, chunk, cdf_hbm, z_hbm, u_hbm, out_hbm,
             cdf_v, z_v, u_v, out_v):
    nc = 2
    wid = lax.axis_index("s") * nc + lax.axis_index("c")
    nw = 32
    per_w = num_rays // nw
    base = wid * per_w
    ni = u_v.shape[1]
    kmax = cdf_v.shape[1] - 1

    def pair_body(p, carry):
        r0 = p * 2
        r1 = r0 + 1
        rv0 = jnp.broadcast_to(r0, (_L,)).astype(jnp.int32)
        rv1 = rv0 + 1
        chains = [(r0, rv0, j) for j in range(ni // _L)]
        chains += [(r1, rv1, j) for j in range(ni // _L)]
        _sc_chains(cdf_v, z_v, u_v, out_v, kmax, chains)
        return carry

    def chunk_body(i, carry):
        off = base + i * chunk
        pltpu.sync_copy(cdf_hbm.at[pl.ds(off, chunk)], cdf_v)
        pltpu.sync_copy(z_hbm.at[pl.ds(off, chunk)], z_v)
        pltpu.sync_copy(u_hbm.at[pl.ds(off, chunk)], u_v)
        lax.fori_loop(0, chunk // 2, pair_body, 0)
        pltpu.sync_copy(out_v, out_hbm.at[pl.ds(off, chunk)])
        return carry

    lax.fori_loop(0, per_w // chunk, chunk_body, 0)


def kernel(rays_o, rays_d, z_vals, weights, u, num_importance):
    del rays_o, rays_d, num_importance
    N, S = z_vals.shape
    NI = u.shape[1]
    R = 512
    cdf = pl.pallas_call(
        _prep_body,
        grid=(N // R,),
        in_specs=[pl.BlockSpec((R, S), lambda i: (i, 0))],
        out_specs=pl.BlockSpec((R, S), lambda i: (i, 0)),
        out_shape=jax.ShapeDtypeStruct((N, S), jnp.float32),
    )(weights)

    chunk = 64
    mesh = plsc.VectorSubcoreMesh(core_axis_name="c", subcore_axis_name="s")
    sc = functools.partial(
        pl.kernel,
        out_type=jax.ShapeDtypeStruct((N, NI), jnp.float32),
        mesh=mesh,
        scratch_types=[
            pltpu.VMEM((chunk, S), jnp.float32),
            pltpu.VMEM((chunk, S), jnp.float32),
            pltpu.VMEM((chunk, NI), jnp.float32),
            pltpu.VMEM((chunk, NI), jnp.float32),
        ],
        compiler_params=pltpu.CompilerParams(
            use_tc_tiling_on_sc=False, needs_layout_passes=False),
    )(functools.partial(_sc_body, N, chunk))
    return sc(cdf, z_vals, u)

# --- scband reference (transcript-rebuilt; emitter-appended) ---
"""Pipeline reference for scband-photogrammetric-renderer-11587821765190 (READ-ONLY COPY).

The authoritative reference and input builder live on the scoring server;
editing this copy changes nothing except your own understanding.
"""

import jax, jax.numpy as jnp
import numpy as np


def setup_inputs(seed: int = 0) -> dict:
    key = jax.random.key(seed)
    k1, k2, k3, k4, k5 = jax.random.split(key, 5)
    N, S, NI = 65536, 192, 96
    rays_o = jax.random.normal(k1, (N, 3), dtype=jnp.float32)
    rays_d = jax.random.normal(k2, (N, 3), dtype=jnp.float32)
    near, far = 0.1, 1000.0
    t = jnp.sort(jax.random.uniform(k3, (N, S), dtype=jnp.float32), axis=-1)
    z_vals = 1.0 / (1.0 / near * (1.0 - t) + 1.0 / far * t)
    weights = jax.random.uniform(k4, (N, S), dtype=jnp.float32)
    # u replaces torch.rand(...) inside hierarchical_sample so the op is deterministic
    u = jax.random.uniform(k5, (N, NI), dtype=jnp.float32)
    return {"rays_o": rays_o, "rays_d": rays_d, "z_vals": z_vals, "weights": weights, "u": u, "num_importance": NI}


def reference(rays_o, rays_d, z_vals, weights, u, num_importance):
    # Faithful JAX port of PhotogrammetricRenderer.hierarchical_sample
    z_vals_mid = 0.5 * (z_vals[..., :-1] + z_vals[..., 1:])
    w = weights[..., 1:-1]
    w = w + 1e-05
    pdf = w / jnp.sum(w, axis=-1, keepdims=True)
    cdf = jnp.cumsum(pdf, axis=-1)
    cdf = jnp.concatenate([jnp.zeros_like(cdf[..., :1]), cdf], axis=-1)
    inds = jax.vmap(lambda c, uu: jnp.searchsorted(c, uu, side='right'))(cdf, u)
    below = jnp.clip(inds - 1, 0, cdf.shape[-1] - 1)
    above = jnp.clip(inds, 0, cdf.shape[-1] - 1)
    cdf_g0 = jnp.take_along_axis(cdf, below, axis=-1)
    cdf_g1 = jnp.take_along_axis(cdf, above, axis=-1)
    bins_g0 = jnp.take_along_axis(z_vals_mid, below, axis=-1)
    bins_g1 = jnp.take_along_axis(z_vals_mid, above, axis=-1)
    denom = cdf_g1 - cdf_g0
    denom = jnp.where(denom < 1e-05, jnp.ones_like(denom), denom)
    t = (u - cdf_g0) / denom
    samples = bins_g0 + t * (bins_g1 - bins_g0)
    return samples

if __name__ == "__main__":
    import jax
    _d = setup_inputs()
    print(jax.jit(kernel)(*tuple(_d.values())))

</pallas_src>

<mosaic_0001>
#map = affine_map<(d0, d1) -> (0, 0)>
module attributes {stable_mosaic.version = 14 : i64} {
  func.func @_sc_body(%arg0: i32, %arg1: i32, %arg2: memref<65536x192xf32, #tpu.memory_space<hbm>>, %arg3: memref<65536x192xf32, #tpu.memory_space<hbm>>, %arg4: memref<65536x96xf32, #tpu.memory_space<hbm>>, %arg5: memref<65536x96xf32, #tpu.memory_space<hbm>>, %arg6: memref<64x192xf32, #tpu.memory_space<vmem>>, %arg7: memref<64x192xf32, #tpu.memory_space<vmem>>, %arg8: memref<64x96xf32, #tpu.memory_space<vmem>>, %arg9: memref<64x96xf32, #tpu.memory_space<vmem>>) attributes {dimension_semantics = [#tpu.dimension_semantics<core_parallel>, #tpu.dimension_semantics<subcore_parallel>], iteration_bounds = array<i64: 2, 16>, scalar_prefetch = 0 : i64, scratch_operands = 4 : i64, tpu.core_type = #tpu.core_type<sc_vector_subcore>, window_params = [{transform_indices = #map}, {transform_indices = #map}, {transform_indices = #map}, {transform_indices = #map}]} {
    %mul3A = arith.constant 2 : i32
    %mul3A_0 = arith.muli %arg1, %mul3A : i32
    %add3A = arith.addi %mul3A_0, %arg0 : i32
    %mul3A_1 = arith.constant 2048 : i32
    %mul3A_2 = arith.muli %add3A, %mul3A_1 : i32
    %scan3A = arith.constant 0 : i32
    %scan3A_3 = arith.constant 0 : i32
    %scan3A_4 = arith.constant 32 : i32
    %scan3A_5 = arith.addi %scan3A_3, %scan3A_4 : i32
    %scan3A_6 = arith.constant 1 : i32
    scf.for %scan3A_8 = %scan3A_3 to %scan3A_5 step %scan3A_6  : i32 {
      %mul3A_9 = arith.constant 64 : i32
      %mul3A_10 = arith.muli %scan3A_8, %mul3A_9 : i32
      %add3A_11 = arith.addi %mul3A_2, %mul3A_10 : i32
      "tpu.region"() ({
        %run_scoped3A = tpu.sem_alloc : memref<!tpu.dma_semaphore, #tpu.memory_space<semaphore_mem>>
        %dma_start3A = arith.constant 0 : i32
        %dma_start3A_18 = tpu.memref_slice %arg2[%add3A_11, %dma_start3A] : memref<65536x192xf32, #tpu.memory_space<hbm>> -> memref<64x192xf32, #tpu.memory_space<hbm>>
        %dma_start3A_19 = arith.constant 0 : i32
        %dma_start3A_20 = tpu.memref_slice %arg2[%add3A_11, %dma_start3A_19] : memref<65536x192xf32, #tpu.memory_space<hbm>> -> memref<64x192xf32, #tpu.memory_space<hbm>>
        tpu.enqueue_dma source(%dma_start3A_20 : memref<64x192xf32, #tpu.memory_space<hbm>>) target(%arg6 : memref<64x192xf32, #tpu.memory_space<vmem>>) target_semaphore(%run_scoped3A : memref<!tpu.dma_semaphore, #tpu.memory_space<semaphore_mem>>)
        %dma_wait3A = arith.constant 0 : i32
        %dma_wait3A_21 = tpu.memref_slice %arg2[%add3A_11, %dma_wait3A] : memref<65536x192xf32, #tpu.memory_space<hbm>> -> memref<64x192xf32, #tpu.memory_space<hbm>>
        %dma_wait3A_22 = arith.constant 0 : i32
        %dma_wait3A_23 = tpu.memref_slice %arg2[%add3A_11, %dma_wait3A_22] : memref<65536x192xf32, #tpu.memory_space<hbm>> -> memref<64x192xf32, #tpu.memory_space<hbm>>
        tpu.wait_dma2 semaphore(%run_scoped3A : memref<!tpu.dma_semaphore, #tpu.memory_space<semaphore_mem>>) src(%dma_wait3A_23 : memref<64x192xf32, #tpu.memory_space<hbm>>) dst(%arg6 : memref<64x192xf32, #tpu.memory_space<vmem>>)
        tpu.yield
      }) : () -> ()
      "tpu.region"() ({
        %run_scoped3A = tpu.sem_alloc : memref<!tpu.dma_semaphore, #tpu.memory_space<semaphore_mem>>
        %dma_start3A = arith.constant 0 : i32
        %dma_start3A_18 = tpu.memref_slice %arg3[%add3A_11, %dma_start3A] : memref<65536x192xf32, #tpu.memory_space<hbm>> -> memref<64x192xf32, #tpu.memory_space<hbm>>
        %dma_start3A_19 = arith.constant 0 : i32
        %dma_start3A_20 = tpu.memref_slice %arg3[%add3A_11, %dma_start3A_19] : memref<65536x192xf32, #tpu.memory_space<hbm>> -> memref<64x192xf32, #tpu.memory_space<hbm>>
        tpu.enqueue_dma source(%dma_start3A_20 : memref<64x192xf32, #tpu.memory_space<hbm>>) target(%arg7 : memref<64x192xf32, #tpu.memory_space<vmem>>) target_semaphore(%run_scoped3A : memref<!tpu.dma_semaphore, #tpu.memory_space<semaphore_mem>>)
        %dma_wait3A = arith.constant 0 : i32
        %dma_wait3A_21 = tpu.memref_slice %arg3[%add3A_11, %dma_wait3A] : memref<65536x192xf32, #tpu.memory_space<hbm>> -> memref<64x192xf32, #tpu.memory_space<hbm>>
        %dma_wait3A_22 = arith.constant 0 : i32
        %dma_wait3A_23 = tpu.memref_slice %arg3[%add3A_11, %dma_wait3A_22] : memref<65536x192xf32, #tpu.memory_space<hbm>> -> memref<64x192xf32, #tpu.memory_space<hbm>>
        tpu.wait_dma2 semaphore(%run_scoped3A : memref<!tpu.dma_semaphore, #tpu.memory_space<semaphore_mem>>) src(%dma_wait3A_23 : memref<64x192xf32, #tpu.memory_space<hbm>>) dst(%arg7 : memref<64x192xf32, #tpu.memory_space<vmem>>)
        tpu.yield
      }) : () -> ()
      "tpu.region"() ({
        %run_scoped3A = tpu.sem_alloc : memref<!tpu.dma_semaphore, #tpu.memory_space<semaphore_mem>>
        %dma_start3A = arith.constant 0 : i32
        %dma_start3A_18 = tpu.memref_slice %arg4[%add3A_11, %dma_start3A] : memref<65536x96xf32, #tpu.memory_space<hbm>> -> memref<64x96xf32, #tpu.memory_space<hbm>>
        %dma_start3A_19 = arith.constant 0 : i32
        %dma_start3A_20 = tpu.memref_slice %arg4[%add3A_11, %dma_start3A_19] : memref<65536x96xf32, #tpu.memory_space<hbm>> -> memref<64x96xf32, #tpu.memory_space<hbm>>
        tpu.enqueue_dma source(%dma_start3A_20 : memref<64x96xf32, #tpu.memory_space<hbm>>) target(%arg8 : memref<64x96xf32, #tpu.memory_space<vmem>>) target_semaphore(%run_scoped3A : memref<!tpu.dma_semaphore, #tpu.memory_space<semaphore_mem>>)
        %dma_wait3A = arith.constant 0 : i32
        %dma_wait3A_21 = tpu.memref_slice %arg4[%add3A_11, %dma_wait3A] : memref<65536x96xf32, #tpu.memory_space<hbm>> -> memref<64x96xf32, #tpu.memory_space<hbm>>
        %dma_wait3A_22 = arith.constant 0 : i32
        %dma_wait3A_23 = tpu.memref_slice %arg4[%add3A_11, %dma_wait3A_22] : memref<65536x96xf32, #tpu.memory_space<hbm>> -> memref<64x96xf32, #tpu.memory_space<hbm>>
        tpu.wait_dma2 semaphore(%run_scoped3A : memref<!tpu.dma_semaphore, #tpu.memory_space<semaphore_mem>>) src(%dma_wait3A_23 : memref<64x96xf32, #tpu.memory_space<hbm>>) dst(%arg8 : memref<64x96xf32, #tpu.memory_space<vmem>>)
        tpu.yield
      }) : () -> ()
      %scan3A_12 = arith.constant 0 : i32
      %scan3A_13 = arith.constant 0 : i32
      %scan3A_14 = arith.constant 32 : i32
      %scan3A_15 = arith.addi %scan3A_13, %scan3A_14 : i32
      %scan3A_16 = arith.constant 1 : i32
      scf.for %scan3A_18 = %scan3A_13 to %scan3A_15 step %scan3A_16  : i32 {
        %mul3A_19 = arith.constant 2 : i32
        %mul3A_20 = arith.muli %scan3A_18, %mul3A_19 : i32
        %add3A_21 = arith.constant 1 : i32
        %add3A_22 = arith.addi %mul3A_20, %add3A_21 : i32
        %broadcast_in_dim3A = vector.broadcast %mul3A_20 : i32 to vector<16xi32>
        %add3A_23 = arith.constant 1 : i32
        %add3A_24 = vector.broadcast %add3A_23 : i32 to vector<16xi32>
        %add3A_25 = arith.addi %broadcast_in_dim3A, %add3A_24 : vector<16xi32>
        %get3A = arith.index_cast %mul3A_20 : i32 to index
        %get3A_26 = arith.constant 0 : index
        %get3A_27 = tpu.vector_load %arg8[%get3A, %get3A_26] {strides = array<i32>} : memref<64x96xf32, #tpu.memory_space<vmem>>, vector<16xf32>,
        %get3A_28 = arith.index_cast %mul3A_20 : i32 to index
        %get3A_29 = arith.constant 16 : index
        %get3A_30 = tpu.vector_load %arg8[%get3A_28, %get3A_29] {strides = array<i32>} : memref<64x96xf32, #tpu.memory_space<vmem>>, vector<16xf32>,
        %get3A_31 = arith.index_cast %mul3A_20 : i32 to index
        %get3A_32 = arith.constant 32 : index
        %get3A_33 = tpu.vector_load %arg8[%get3A_31, %get3A_32] {strides = array<i32>} : memref<64x96xf32, #tpu.memory_space<vmem>>, vector<16xf32>,
        %get3A_34 = arith.index_cast %mul3A_20 : i32 to index
        %get3A_35 = arith.constant 48 : index
        %get3A_36 = tpu.vector_load %arg8[%get3A_34, %get3A_35] {strides = array<i32>} : memref<64x96xf32, #tpu.memory_space<vmem>>, vector<16xf32>,
        %get3A_37 = arith.index_cast %mul3A_20 : i32 to index
        %get3A_38 = arith.constant 64 : index
        %get3A_39 = tpu.vector_load %arg8[%get3A_37, %get3A_38] {strides = array<i32>} : memref<64x96xf32, #tpu.memory_space<vmem>>, vector<16xf32>,
        %get3A_40 = arith.index_cast %mul3A_20 : i32 to index
        %get3A_41 = arith.constant 80 : index
        %get3A_42 = tpu.vector_load %arg8[%get3A_40, %get3A_41] {strides = array<i32>} : memref<64x96xf32, #tpu.memory_space<vmem>>, vector<16xf32>,
        %get3A_43 = arith.index_cast %add3A_22 : i32 to index
        %get3A_44 = arith.constant 0 : index
        %get3A_45 = tpu.vector_load %arg8[%get3A_43, %get3A_44] {strides = array<i32>} : memref<64x96xf32, #tpu.memory_space<vmem>>, vector<16xf32>,
        %get3A_46 = arith.index_cast %add3A_22 : i32 to index
        %get3A_47 = arith.constant 16 : index
        %get3A_48 = tpu.vector_load %arg8[%get3A_46, %get3A_47] {strides = array<i32>} : memref<64x96xf32, #tpu.memory_space<vmem>>, vector<16xf32>,
        %get3A_49 = arith.index_cast %add3A_22 : i32 to index
        %get3A_50 = arith.constant 32 : index
        %get3A_51 = tpu.vector_load %arg8[%get3A_49, %get3A_50] {strides = array<i32>} : memref<64x96xf32, #tpu.memory_space<vmem>>, vector<16xf32>,
        %get3A_52 = arith.index_cast %add3A_22 : i32 to index
        %get3A_53 = arith.constant 48 : index
        %get3A_54 = tpu.vector_load %arg8[%get3A_52, %get3A_53] {strides = array<i32>} : memref<64x96xf32, #tpu.memory_space<vmem>>, vector<16xf32>,
        %get3A_55 = arith.index_cast %add3A_22 : i32 to index
        %get3A_56 = arith.constant 64 : index
        %get3A_57 = tpu.vector_load %arg8[%get3A_55, %get3A_56] {strides = array<i32>} : memref<64x96xf32, #tpu.memory_space<vmem>>, vector<16xf32>,
        %get3A_58 = arith.index_cast %add3A_22 : i32 to index
        %get3A_59 = arith.constant 80 : index
        %get3A_60 = tpu.vector_load %arg8[%get3A_58, %get3A_59] {strides = array<i32>} : memref<64x96xf32, #tpu.memory_space<vmem>>, vector<16xf32>,
        %broadcast_in_dim3A_61 = arith.constant 0 : i32
        %broadcast_in_dim3A_62 = vector.broadcast %broadcast_in_dim3A_61 : i32 to vector<16xi32>
        %broadcast_in_dim3A_63 = arith.constant 0 : i32
        %broadcast_in_dim3A_64 = vector.broadcast %broadcast_in_dim3A_63 : i32 to vector<16xi32>
        %broadcast_in_dim3A_65 = arith.constant 0 : i32
        %broadcast_in_dim3A_66 = vector.broadcast %broadcast_in_dim3A_65 : i32 to vector<16xi32>
        %broadcast_in_dim3A_67 = arith.constant 0 : i32
        %broadcast_in_dim3A_68 = vector.broadcast %broadcast_in_dim3A_67 : i32 to vector<16xi32>
        %broadcast_in_dim3A_69 = arith.constant 0 : i32
        %broadcast_in_dim3A_70 = vector.broadcast %broadcast_in_dim3A_69 : i32 to vector<16xi32>
        %broadcast_in_dim3A_71 = arith.constant 0 : i32
        %broadcast_in_dim3A_72 = vector.broadcast %broadcast_in_dim3A_71 : i32 to vector<16xi32>
        %broadcast_in_dim3A_73 = arith.constant 0 : i32
        %broadcast_in_dim3A_74 = vector.broadcast %broadcast_in_dim3A_73 : i32 to vector<16xi32>
        %broadcast_in_dim3A_75 = arith.constant 0 : i32
        %broadcast_in_dim3A_76 = vector.broadcast %broadcast_in_dim3A_75 : i32 to vector<16xi32>
        %broadcast_in_dim3A_77 = arith.constant 0 : i32
        %broadcast_in_dim3A_78 = vector.broadcast %broadcast_in_dim3A_77 : i32 to vector<16xi32>
        %broadcast_in_dim3A_79 = arith.constant 0 : i32
        %broadcast_in_dim3A_80 = vector.broadcast %broadcast_in_dim3A_79 : i32 to vector<16xi32>
        %broadcast_in_dim3A_81 = arith.constant 0 : i32
        %broadcast_in_dim3A_82 = vector.broadcast %broadcast_in_dim3A_81 : i32 to vector<16xi32>
        %broadcast_in_dim3A_83 = arith.constant 0 : i32
        %broadcast_in_dim3A_84 = vector.broadcast %broadcast_in_dim3A_83 : i32 to vector<16xi32>
        %add3A_85 = arith.constant 128 : i32
        %add3A_86 = vector.broadcast %add3A_85 : i32 to vector<16xi32>
        %add3A_87 = arith.addi %broadcast_in_dim3A_62, %add3A_86 : vector<16xi32>
        %add3A_88 = arith.constant 128 : i32
        %add3A_89 = vector.broadcast %add3A_88 : i32 to vector<16xi32>
        %add3A_90 = arith.addi %broadcast_in_dim3A_64, %add3A_89 : vector<16xi32>
        %add3A_91 = arith.constant 128 : i32
        %add3A_92 = vector.broadcast %add3A_91 : i32 to vector<16xi32>
        %add3A_93 = arith.addi %broadcast_in_dim3A_66, %add3A_92 : vector<16xi32>
        %add3A_94 = arith.constant 128 : i32
        %add3A_95 = vector.broadcast %add3A_94 : i32 to vector<16xi32>
        %add3A_96 = arith.addi %broadcast_in_dim3A_68, %add3A_95 : vector<16xi32>
        %add3A_97 = arith.constant 128 : i32
        %add3A_98 = vector.broadcast %add3A_97 : i32 to vector<16xi32>
        %add3A_99 = arith.addi %broadcast_in_dim3A_70, %add3A_98 : vector<16xi32>
        %add3A_100 = arith.constant 128 : i32
        %add3A_101 = vector.broadcast %add3A_100 : i32 to vector<16xi32>
        %add3A_102 = arith.addi %broadcast_in_dim3A_72, %add3A_101 : vector<16xi32>
        %add3A_103 = arith.constant 128 : i32
        %add3A_104 = vector.broadcast %add3A_103 : i32 to vector<16xi32>
        %add3A_105 = arith.addi %broadcast_in_dim3A_74, %add3A_104 : vector<16xi32>
        %add3A_106 = arith.constant 128 : i32
        %add3A_107 = vector.broadcast %add3A_106 : i32 to vector<16xi32>
        %add3A_108 = arith.addi %broadcast_in_dim3A_76, %add3A_107 : vector<16xi32>
        %add3A_109 = arith.constant 128 : i32
        %add3A_110 = vector.broadcast %add3A_109 : i32 to vector<16xi32>
        %add3A_111 = arith.addi %broadcast_in_dim3A_78, %add3A_110 : vector<16xi32>
        %add3A_112 = arith.constant 128 : i32
        %add3A_113 = vector.broadcast %add3A_112 : i32 to vector<16xi32>
        %add3A_114 = arith.addi %broadcast_in_dim3A_80, %add3A_113 : vector<16xi32>
        %add3A_115 = arith.constant 128 : i32
        %add3A_116 = vector.broadcast %add3A_115 : i32 to vector<16xi32>
        %add3A_117 = arith.addi %broadcast_in_dim3A_82, %add3A_116 : vector<16xi32>
        %add3A_118 = arith.constant 128 : i32
        %add3A_119 = vector.broadcast %add3A_118 : i32 to vector<16xi32>
        %add3A_120 = arith.addi %broadcast_in_dim3A_84, %add3A_119 : vector<16xi32>
        %min3A = arith.constant 191 : i32
        %min3A_121 = vector.broadcast %min3A : i32 to vector<16xi32>
        %min3A_122 = arith.minsi %add3A_87, %min3A_121 : vector<16xi32>
        %min3A_123 = arith.constant 191 : i32
        %min3A_124 = vector.broadcast %min3A_123 : i32 to vector<16xi32>
        %min3A_125 = arith.minsi %add3A_90, %min3A_124 : vector<16xi32>
        %min3A_126 = arith.constant 191 : i32
        %min3A_127 = vector.broadcast %min3A_126 : i32 to vector<16xi32>
        %min3A_128 = arith.minsi %add3A_93, %min3A_127 : vector<16xi32>
        %min3A_129 = arith.constant 191 : i32
        %min3A_130 = vector.broadcast %min3A_129 : i32 to vector<16xi32>
        %min3A_131 = arith.minsi %add3A_96, %min3A_130 : vector<16xi32>
        %min3A_132 = arith.constant 191 : i32
        %min3A_133 = vector.broadcast %min3A_132 : i32 to vector<16xi32>
        %min3A_134 = arith.minsi %add3A_99, %min3A_133 : vector<16xi32>
        %min3A_135 = arith.constant 191 : i32
        %min3A_136 = vector.broadcast %min3A_135 : i32 to vector<16xi32>
        %min3A_137 = arith.minsi %add3A_102, %min3A_136 : vector<16xi32>
        %min3A_138 = arith.constant 191 : i32
        %min3A_139 = vector.broadcast %min3A_138 : i32 to vector<16xi32>
        %min3A_140 = arith.minsi %add3A_105, %min3A_139 : vector<16xi32>
        %min3A_141 = arith.constant 191 : i32
        %min3A_142 = vector.broadcast %min3A_141 : i32 to vector<16xi32>
        %min3A_143 = arith.minsi %add3A_108, %min3A_142 : vector<16xi32>
        %min3A_144 = arith.constant 191 : i32
        %min3A_145 = vector.broadcast %min3A_144 : i32 to vector<16xi32>
        %min3A_146 = arith.minsi %add3A_111, %min3A_145 : vector<16xi32>
        %min3A_147 = arith.constant 191 : i32
        %min3A_148 = vector.broadcast %min3A_147 : i32 to vector<16xi32>
        %min3A_149 = arith.minsi %add3A_114, %min3A_148 : vector<16xi32>
        %min3A_150 = arith.constant 191 : i32
        %min3A_151 = vector.broadcast %min3A_150 : i32 to vector<16xi32>
        %min3A_152 = arith.minsi %add3A_117, %min3A_151 : vector<16xi32>
        %min3A_153 = arith.constant 191 : i32
        %min3A_154 = vector.broadcast %min3A_153 : i32 to vector<16xi32>
        %min3A_155 = arith.minsi %add3A_120, %min3A_154 : vector<16xi32>
        %gather3A = tpu.vector_load_idx %arg6[%broadcast_in_dim3A, %min3A_122] : memref<64x192xf32, #tpu.memory_space<vmem>>[vector<16xi32>, vector<16xi32>], vector<16xf32>,
        %gather3A_156 = tpu.vector_load_idx %arg6[%broadcast_in_dim3A, %min3A_125] : memref<64x192xf32, #tpu.memory_space<vmem>>[vector<16xi32>, vector<16xi32>], vector<16xf32>,
        %gather3A_157 = tpu.vector_load_idx %arg6[%broadcast_in_dim3A, %min3A_128] : memref<64x192xf32, #tpu.memory_space<vmem>>[vector<16xi32>, vector<16xi32>], vector<16xf32>,
        %gather3A_158 = tpu.vector_load_idx %arg6[%broadcast_in_dim3A, %min3A_131] : memref<64x192xf32, #tpu.memory_space<vmem>>[vector<16xi32>, vector<16xi32>], vector<16xf32>,
        %gather3A_159 = tpu.vector_load_idx %arg6[%broadcast_in_dim3A, %min3A_134] : memref<64x192xf32, #tpu.memory_space<vmem>>[vector<16xi32>, vector<16xi32>], vector<16xf32>,
        %gather3A_160 = tpu.vector_load_idx %arg6[%broadcast_in_dim3A, %min3A_137] : memref<64x192xf32, #tpu.memory_space<vmem>>[vector<16xi32>, vector<16xi32>], vector<16xf32>,
        %gather3A_161 = tpu.vector_load_idx %arg6[%add3A_25, %min3A_140] : memref<64x192xf32, #tpu.memory_space<vmem>>[vector<16xi32>, vector<16xi32>], vector<16xf32>,
        %gather3A_162 = tpu.vector_load_idx %arg6[%add3A_25, %min3A_143] : memref<64x192xf32, #tpu.memory_space<vmem>>[vector<16xi32>, vector<16xi32>], vector<16xf32>,
        %gather3A_163 = tpu.vector_load_idx %arg6[%add3A_25, %min3A_146] : memref<64x192xf32, #tpu.memory_space<vmem>>[vector<16xi32>, vector<16xi32>], vector<16xf32>,
        %gather3A_164 = tpu.vector_load_idx %arg6[%add3A_25, %min3A_149] : memref<64x192xf32, #tpu.memory_space<vmem>>[vector<16xi32>, vector<16xi32>], vector<16xf32>,
        %gather3A_165 = tpu.vector_load_idx %arg6[%add3A_25, %min3A_152] : memref<64x192xf32, #tpu.memory_space<vmem>>[vector<16xi32>, vector<16xi32>], vector<16xf32>,
        %gather3A_166 = tpu.vector_load_idx %arg6[%add3A_25, %min3A_155] : memref<64x192xf32, #tpu.memory_space<vmem>>[vector<16xi32>, vector<16xi32>], vector<16xf32>,
        %le3A = arith.cmpf ole, %gather3A, %get3A_27 : vector<16xf32>
        %select_n3A = arith.select %le3A, %add3A_87, %broadcast_in_dim3A_62 : vector<16xi1>, vector<16xi32>
        %le3A_167 = arith.cmpf ole, %gather3A_156, %get3A_30 : vector<16xf32>
        %select_n3A_168 = arith.select %le3A_167, %add3A_90, %broadcast_in_dim3A_64 : vector<16xi1>, vector<16xi32>
        %le3A_169 = arith.cmpf ole, %gather3A_157, %get3A_33 : vector<16xf32>
        %select_n3A_170 = arith.select %le3A_169, %add3A_93, %broadcast_in_dim3A_66 : vector<16xi1>, vector<16xi32>
        %le3A_171 = arith.cmpf ole, %gather3A_158, %get3A_36 : vector<16xf32>
        %select_n3A_172 = arith.select %le3A_171, %add3A_96, %broadcast_in_dim3A_68 : vector<16xi1>, vector<16xi32>
        %le3A_173 = arith.cmpf ole, %gather3A_159, %get3A_39 : vector<16xf32>
        %select_n3A_174 = arith.select %le3A_173, %add3A_99, %broadcast_in_dim3A_70 : vector<16xi1>, vector<16xi32>
        %le3A_175 = arith.cmpf ole, %gather3A_160, %get3A_42 : vector<16xf32>
        %select_n3A_176 = arith.select %le3A_175, %add3A_102, %broadcast_in_dim3A_72 : vector<16xi1>, vector<16xi32>
        %le3A_177 = arith.cmpf ole, %gather3A_161, %get3A_45 : vector<16xf32>
        %select_n3A_178 = arith.select %le3A_177, %add3A_105, %broadcast_in_dim3A_74 : vector<16xi1>, vector<16xi32>
        %le3A_179 = arith.cmpf ole, %gather3A_162, %get3A_48 : vector<16xf32>
        %select_n3A_180 = arith.select %le3A_179, %add3A_108, %broadcast_in_dim3A_76 : vector<16xi1>, vector<16xi32>
        %le3A_181 = arith.cmpf ole, %gather3A_163, %get3A_51 : vector<16xf32>
        %select_n3A_182 = arith.select %le3A_181, %add3A_111, %broadcast_in_dim3A_78 : vector<16xi1>, vector<16xi32>
        %le3A_183 = arith.cmpf ole, %gather3A_164, %get3A_54 : vector<16xf32>
        %select_n3A_184 = arith.select %le3A_183, %add3A_114, %broadcast_in_dim3A_80 : vector<16xi1>, vector<16xi32>
        %le3A_185 = arith.cmpf ole, %gather3A_165, %get3A_57 : vector<16xf32>
        %select_n3A_186 = arith.select %le3A_185, %add3A_117, %broadcast_in_dim3A_82 : vector<16xi1>, vector<16xi32>
        %le3A_187 = arith.cmpf ole, %gather3A_166, %get3A_60 : vector<16xf32>
        %select_n3A_188 = arith.select %le3A_187, %add3A_120, %broadcast_in_dim3A_84 : vector<16xi1>, vector<16xi32>
        %add3A_189 = arith.constant 64 : i32
        %add3A_190 = vector.broadcast %add3A_189 : i32 to vector<16xi32>
        %add3A_191 = arith.addi %select_n3A, %add3A_190 : vector<16xi32>
        %add3A_192 = arith.constant 64 : i32
        %add3A_193 = vector.broadcast %add3A_192 : i32 to vector<16xi32>
        %add3A_194 = arith.addi %select_n3A_168, %add3A_193 : vector<16xi32>
        %add3A_195 = arith.constant 64 : i32
        %add3A_196 = vector.broadcast %add3A_195 : i32 to vector<16xi32>
        %add3A_197 = arith.addi %select_n3A_170, %add3A_196 : vector<16xi32>
        %add3A_198 = arith.constant 64 : i32
        %add3A_199 = vector.broadcast %add3A_198 : i32 to vector<16xi32>
        %add3A_200 = arith.addi %select_n3A_172, %add3A_199 : vector<16xi32>
        %add3A_201 = arith.constant 64 : i32
        %add3A_202 = vector.broadcast %add3A_201 : i32 to vector<16xi32>
        %add3A_203 = arith.addi %select_n3A_174, %add3A_202 : vector<16xi32>
        %add3A_204 = arith.constant 64 : i32
        %add3A_205 = vector.broadcast %add3A_204 : i32 to vector<16xi32>
        %add3A_206 = arith.addi %select_n3A_176, %add3A_205 : vector<16xi32>
        %add3A_207 = arith.constant 64 : i32
        %add3A_208 = vector.broadcast %add3A_207 : i32 to vector<16xi32>
        %add3A_209 = arith.addi %select_n3A_178, %add3A_208 : vector<16xi32>
        %add3A_210 = arith.constant 64 : i32
        %add3A_211 = vector.broadcast %add3A_210 : i32 to vector<16xi32>
        %add3A_212 = arith.addi %select_n3A_180, %add3A_211 : vector<16xi32>
        %add3A_213 = arith.constant 64 : i32
        %add3A_214 = vector.broadcast %add3A_213 : i32 to vector<16xi32>
        %add3A_215 = arith.addi %select_n3A_182, %add3A_214 : vector<16xi32>
        %add3A_216 = arith.constant 64 : i32
        %add3A_217 = vector.broadcast %add3A_216 : i32 to vector<16xi32>
        %add3A_218 = arith.addi %select_n3A_184, %add3A_217 : vector<16xi32>
        %add3A_219 = arith.constant 64 : i32
        %add3A_220 = vector.broadcast %add3A_219 : i32 to vector<16xi32>
        %add3A_221 = arith.addi %select_n3A_186, %add3A_220 : vector<16xi32>
        %add3A_222 = arith.constant 64 : i32
        %add3A_223 = vector.broadcast %add3A_222 : i32 to vector<16xi32>
        %add3A_224 = arith.addi %select_n3A_188, %add3A_223 : vector<16xi32>
        %min3A_225 = arith.constant 191 : i32
        %min3A_226 = vector.broadcast %min3A_225 : i32 to vector<16xi32>
        %min3A_227 = arith.minsi %add3A_191, %min3A_226 : vector<16xi32>
        %min3A_228 = arith.constant 191 : i32
        %min3A_229 = vector.broadcast %min3A_228 : i32 to vector<16xi32>
        %min3A_230 = arith.minsi %add3A_194, %min3A_229 : vector<16xi32>
        %min3A_231 = arith.constant 191 : i32
        %min3A_232 = vector.broadcast %min3A_231 : i32 to vector<16xi32>
        %min3A_233 = arith.minsi %add3A_197, %min3A_232 : vector<16xi32>
        %min3A_234 = arith.constant 191 : i32
        %min3A_235 = vector.broadcast %min3A_234 : i32 to vector<16xi32>
        %min3A_236 = arith.minsi %add3A_200, %min3A_235 : vector<16xi32>
        %min3A_237 = arith.constant 191 : i32
        %min3A_238 = vector.broadcast %min3A_237 : i32 to vector<16xi32>
        %min3A_239 = arith.minsi %add3A_203, %min3A_238 : vector<16xi32>
        %min3A_240 = arith.constant 191 : i32
        %min3A_241 = vector.broadcast %min3A_240 : i32 to vector<16xi32>
        %min3A_242 = arith.minsi %add3A_206, %min3A_241 : vector<16xi32>
        %min3A_243 = arith.constant 191 : i32
        %min3A_244 = vector.broadcast %min3A_243 : i32 to vector<16xi32>
        %min3A_245 = arith.minsi %add3A_209, %min3A_244 : vector<16xi32>
        %min3A_246 = arith.constant 191 : i32
        %min3A_247 = vector.broadcast %min3A_246 : i32 to vector<16xi32>
        %min3A_248 = arith.minsi %add3A_212, %min3A_247 : vector<16xi32>
        %min3A_249 = arith.constant 191 : i32
        %min3A_250 = vector.broadcast %min3A_249 : i32 to vector<16xi32>
        %min3A_251 = arith.minsi %add3A_215, %min3A_250 : vector<16xi32>
        %min3A_252 = arith.constant 191 : i32
        %min3A_253 = vector.broadcast %min3A_252 : i32 to vector<16xi32>
        %min3A_254 = arith.minsi %add3A_218, %min3A_253 : vector<16xi32>
        %min3A_255 = arith.constant 191 : i32
        %min3A_256 = vector.broadcast %min3A_255 : i32 to vector<16xi32>
        %min3A_257 = arith.minsi %add3A_221, %min3A_256 : vector<16xi32>
        %min3A_258 = arith.constant 191 : i32
        %min3A_259 = vector.broadcast %min3A_258 : i32 to vector<16xi32>
        %min3A_260 = arith.minsi %add3A_224, %min3A_259 : vector<16xi32>
        %gather3A_261 = tpu.vector_load_idx %arg6[%broadcast_in_dim3A, %min3A_227] : memref<64x192xf32, #tpu.memory_space<vmem>>[vector<16xi32>, vector<16xi32>], vector<16xf32>,
        %gather3A_262 = tpu.vector_load_idx %arg6[%broadcast_in_dim3A, %min3A_230] : memref<64x192xf32, #tpu.memory_space<vmem>>[vector<16xi32>, vector<16xi32>], vector<16xf32>,
        %gather3A_263 = tpu.vector_load_idx %arg6[%broadcast_in_dim3A, %min3A_233] : memref<64x192xf32, #tpu.memory_space<vmem>>[vector<16xi32>, vector<16xi32>], vector<16xf32>,
        %gather3A_264 = tpu.vector_load_idx %arg6[%broadcast_in_dim3A, %min3A_236] : memref<64x192xf32, #tpu.memory_space<vmem>>[vector<16xi32>, vector<16xi32>], vector<16xf32>,
        %gather3A_265 = tpu.vector_load_idx %arg6[%broadcast_in_dim3A, %min3A_239] : memref<64x192xf32, #tpu.memory_space<vmem>>[vector<16xi32>, vector<16xi32>], vector<16xf32>,
        %gather3A_266 = tpu.vector_load_idx %arg6[%broadcast_in_dim3A, %min3A_242] : memref<64x192xf32, #tpu.memory_space<vmem>>[vector<16xi32>, vector<16xi32>], vector<16xf32>,
        %gather3A_267 = tpu.vector_load_idx %arg6[%add3A_25, %min3A_245] : memref<64x192xf32, #tpu.memory_space<vmem>>[vector<16xi32>, vector<16xi32>], vector<16xf32>,
        %gather3A_268 = tpu.vector_load_idx %arg6[%add3A_25, %min3A_248] : memref<64x192xf32, #tpu.memory_space<vmem>>[vector<16xi32>, vector<16xi32>], vector<16xf32>,
        %gather3A_269 = tpu.vector_load_idx %arg6[%add3A_25, %min3A_251] : memref<64x192xf32, #tpu.memory_space<vmem>>[vector<16xi32>, vector<16xi32>], vector<16xf32>,
        %gather3A_270 = tpu.vector_load_idx %arg6[%add3A_25, %min3A_254] : memref<64x192xf32, #tpu.memory_space<vmem>>[vector<16xi32>, vector<16xi32>], vector<16xf32>,
        %gather3A_271 = tpu.vector_load_idx %arg6[%add3A_25, %min3A_257] : memref<64x192xf32, #tpu.memory_space<vmem>>[vector<16xi32>, vector<16xi32>], vector<16xf32>,
        %gather3A_272 = tpu.vector_load_idx %arg6[%add3A_25, %min3A_260] : memref<64x192xf32, #tpu.memory_space<vmem>>[vector<16xi32>, vector<16xi32>], vector<16xf32>,
        %le3A_273 = arith.cmpf ole, %gather3A_261, %get3A_27 : vector<16xf32>
        %select_n3A_274 = arith.select %le3A_273, %add3A_191, %select_n3A : vector<16xi1>, vector<16xi32>
        %le3A_275 = arith.cmpf ole, %gather3A_262, %get3A_30 : vector<16xf32>
        %select_n3A_276 = arith.select %le3A_275, %add3A_194, %select_n3A_168 : vector<16xi1>, vector<16xi32>
        %le3A_277 = arith.cmpf ole, %gather3A_263, %get3A_33 : vector<16xf32>
        %select_n3A_278 = arith.select %le3A_277, %add3A_197, %select_n3A_170 : vector<16xi1>, vector<16xi32>
        %le3A_279 = arith.cmpf ole, %gather3A_264, %get3A_36 : vector<16xf32>
        %select_n3A_280 = arith.select %le3A_279, %add3A_200, %select_n3A_172 : vector<16xi1>, vector<16xi32>
        %le3A_281 = arith.cmpf ole, %gather3A_265, %get3A_39 : vector<16xf32>
        %select_n3A_282 = arith.select %le3A_281, %add3A_203, %select_n3A_174 : vector<16xi1>, vector<16xi32>
        %le3A_283 = arith.cmpf ole, %gather3A_266, %get3A_42 : vector<16xf32>
        %select_n3A_284 = arith.select %le3A_283, %add3A_206, %select_n3A_176 : vector<16xi1>, vector<16xi32>
        %le3A_285 = arith.cmpf ole, %gather3A_267, %get3A_45 : vector<16xf32>
        %select_n3A_286 = arith.select %le3A_285, %add3A_209, %select_n3A_178 : vector<16xi1>, vector<16xi32>
        %le3A_287 = arith.cmpf ole, %gather3A_268, %get3A_48 : vector<16xf32>
        %select_n3A_288 = arith.select %le3A_287, %add3A_212, %select_n3A_180 : vector<16xi1>, vector<16xi32>
        %le3A_289 = arith.cmpf ole, %gather3A_269, %get3A_51 : vector<16xf32>
        %select_n3A_290 = arith.select %le3A_289, %add3A_215, %select_n3A_182 : vector<16xi1>, vector<16xi32>
        %le3A_291 = arith.cmpf ole, %gather3A_270, %get3A_54 : vector<16xf32>
        %select_n3A_292 = arith.select %le3A_291, %add3A_218, %select_n3A_184 : vector<16xi1>, vector<16xi32>
        %le3A_293 = arith.cmpf ole, %gather3A_271, %get3A_57 : vector<16xf32>
        %select_n3A_294 = arith.select %le3A_293, %add3A_221, %select_n3A_186 : vector<16xi1>, vector<16xi32>
        %le3A_295 = arith.cmpf ole, %gather3A_272, %get3A_60 : vector<16xf32>
        %select_n3A_296 = arith.select %le3A_295, %add3A_224, %select_n3A_188 : vector<16xi1>, vector<16xi32>
        %add3A_297 = arith.constant 32 : i32
        %add3A_298 = vector.broadcast %add3A_297 : i32 to vector<16xi32>
        %add3A_299 = arith.addi %select_n3A_274, %add3A_298 : vector<16xi32>
        %add3A_300 = arith.constant 32 : i32
        %add3A_301 = vector.broadcast %add3A_300 : i32 to vector<16xi32>
        %add3A_302 = arith.addi %select_n3A_276, %add3A_301 : vector<16xi32>
        %add3A_303 = arith.constant 32 : i32
        %add3A_304 = vector.broadcast %add3A_303 : i32 to vector<16xi32>
        %add3A_305 = arith.addi %select_n3A_278, %add3A_304 : vector<16xi32>
        %add3A_306 = arith.constant 32 : i32
        %add3A_307 = vector.broadcast %add3A_306 : i32 to vector<16xi32>
        %add3A_308 = arith.addi %select_n3A_280, %add3A_307 : vector<16xi32>
        %add3A_309 = arith.constant 32 : i32
        %add3A_310 = vector.broadcast %add3A_309 : i32 to vector<16xi32>
        %add3A_311 = arith.addi %select_n3A_282, %add3A_310 : vector<16xi32>
        %add3A_312 = arith.constant 32 : i32
        %add3A_313 = vector.broadcast %add3A_312 : i32 to vector<16xi32>
        %add3A_314 = arith.addi %select_n3A_284, %add3A_313 : vector<16xi32>
        %add3A_315 = arith.constant 32 : i32
        %add3A_316 = vector.broadcast %add3A_315 : i32 to vector<16xi32>
        %add3A_317 = arith.addi %select_n3A_286, %add3A_316 : vector<16xi32>
        %add3A_318 = arith.constant 32 : i32
        %add3A_319 = vector.broadcast %add3A_318 : i32 to vector<16xi32>
        %add3A_320 = arith.addi %select_n3A_288, %add3A_319 : vector<16xi32>
        %add3A_321 = arith.constant 32 : i32
        %add3A_322 = vector.broadcast %add3A_321 : i32 to vector<16xi32>
        %add3A_323 = arith.addi %select_n3A_290, %add3A_322 : vector<16xi32>
        %add3A_324 = arith.constant 32 : i32
        %add3A_325 = vector.broadcast %add3A_324 : i32 to vector<16xi32>
        %add3A_326 = arith.addi %select_n3A_292, %add3A_325 : vector<16xi32>
        %add3A_327 = arith.constant 32 : i32
        %add3A_328 = vector.broadcast %add3A_327 : i32 to vector<16xi32>
        %add3A_329 = arith.addi %select_n3A_294, %add3A_328 : vector<16xi32>
        %add3A_330 = arith.constant 32 : i32
        %add3A_331 = vector.broadcast %add3A_330 : i32 to vector<16xi32>
        %add3A_332 = arith.addi %select_n3A_296, %add3A_331 : vector<16xi32>
        %min3A_333 = arith.constant 191 : i32
        %min3A_334 = vector.broadcast %min3A_333 : i32 to vector<16xi32>
        %min3A_335 = arith.minsi %add3A_299, %min3A_334 : vector<16xi32>
        %min3A_336 = arith.constant 191 : i32
        %min3A_337 = vector.broadcast %min3A_336 : i32 to vector<16xi32>
        %min3A_338 = arith.minsi %add3A_302, %min3A_337 : vector<16xi32>
        %min3A_339 = arith.constant 191 : i32
        %min3A_340 = vector.broadcast %min3A_339 : i32 to vector<16xi32>
        %min3A_341 = arith.minsi %add3A_305, %min3A_340 : vector<16xi32>
        %min3A_342 = arith.constant 191 : i32
        %min3A_343 = vector.broadcast %min3A_342 : i32 to vector<16xi32>
        %min3A_344 = arith.minsi %add3A_308, %min3A_343 : vector<16xi32>
        %min3A_345 = arith.constant 191 : i32
        %min3A_346 = vector.broadcast %min3A_345 : i32 to vector<16xi32>
        %min3A_347 = arith.minsi %add3A_311, %min3A_346 : vector<16xi32>
        %min3A_348 = arith.constant 191 : i32
        %min3A_349 = vector.broadcast %min3A_348 : i32 to vector<16xi32>
        %min3A_350 = arith.minsi %add3A_314, %min3A_349 : vector<16xi32>
        %min3A_351 = arith.constant 191 : i32
        %min3A_352 = vector.broadcast %min3A_351 : i32 to vector<16xi32>
        %min3A_353 = arith.minsi %add3A_317, %min3A_352 : vector<16xi32>
        %min3A_354 = arith.constant 191 : i32
        %min3A_355 = vector.broadcast %min3A_354 : i32 to vector<16xi32>
        %min3A_356 = arith.minsi %add3A_320, %min3A_355 : vector<16xi32>
        %min3A_357 = arith.constant 191 : i32
        %min3A_358 = vector.broadcast %min3A_357 : i32 to vector<16xi32>
        %min3A_359 = arith.minsi %add3A_323, %min3A_358 : vector<16xi32>
        %min3A_360 = arith.constant 191 : i32
        %min3A_361 = vector.broadcast %min3A_360 : i32 to vector<16xi32>
        %min3A_362 = arith.minsi %add3A_326, %min3A_361 : vector<16xi32>
        %min3A_363 = arith.constant 191 : i32
        %min3A_364 = vector.broadcast %min3A_363 : i32 to vector<16xi32>
        %min3A_365 = arith.minsi %add3A_329, %min3A_364 : vector<16xi32>
        %min3A_366 = arith.constant 191 : i32
        %min3A_367 = vector.broadcast %min3A_366 : i32 to vector<16xi32>
        %min3A_368 = arith.minsi %add3A_332, %min3A_367 : vector<16xi32>
        %gather3A_369 = tpu.vector_load_idx %arg6[%broadcast_in_dim3A, %min3A_335] : memref<64x192xf32, #tpu.memory_space<vmem>>[vector<16xi32>, vector<16xi32>], vector<16xf32>,
        %gather3A_370 = tpu.vector_load_idx %arg6[%broadcast_in_dim3A, %min3A_338] : memref<64x192xf32, #tpu.memory_space<vmem>>[vector<16xi32>, vector<16xi32>], vector<16xf32>,
        %gather3A_371 = tpu.vector_load_idx %arg6[%broadcast_in_dim3A, %min3A_341] : memref<64x192xf32, #tpu.memory_space<vmem>>[vector<16xi32>, vector<16xi32>], vector<16xf32>,
        %gather3A_372 = tpu.vector_load_idx %arg6[%broadcast_in_dim3A, %min3A_344] : memref<64x192xf32, #tpu.memory_space<vmem>>[vector<16xi32>, vector<16xi32>], vector<16xf32>,
        %gather3A_373 = tpu.vector_load_idx %arg6[%broadcast_in_dim3A, %min3A_347] : memref<64x192xf32, #tpu.memory_space<vmem>>[vector<16xi32>, vector<16xi32>], vector<16xf32>,
        %gather3A_374 = tpu.vector_load_idx %arg6[%broadcast_in_dim3A, %min3A_350] : memref<64x192xf32, #tpu.memory_space<vmem>>[vector<16xi32>, vector<16xi32>], vector<16xf32>,
        %gather3A_375 = tpu.vector_load_idx %arg6[%add3A_25, %min3A_353] : memref<64x192xf32, #tpu.memory_space<vmem>>[vector<16xi32>, vector<16xi32>], vector<16xf32>,
        %gather3A_376 = tpu.vector_load_idx %arg6[%add3A_25, %min3A_356] : memref<64x192xf32, #tpu.memory_space<vmem>>[vector<16xi32>, vector<16xi32>], vector<16xf32>,
        %gather3A_377 = tpu.vector_load_idx %arg6[%add3A_25, %min3A_359] : memref<64x192xf32, #tpu.memory_space<vmem>>[vector<16xi32>, vector<16xi32>], vector<16xf32>,
        %gather3A_378 = tpu.vector_load_idx %arg6[%add3A_25, %min3A_362] : memref<64x192xf32, #tpu.memory_space<vmem>>[vector<16xi32>, vector<16xi32>], vector<16xf32>,
        %gather3A_379 = tpu.vector_load_idx %arg6[%add3A_25, %min3A_365] : memref<64x192xf32, #tpu.memory_space<vmem>>[vector<16xi32>, vector<16xi32>], vector<16xf32>,
        %gather3A_380 = tpu.vector_load_idx %arg6[%add3A_25, %min3A_368] : memref<64x192xf32, #tpu.memory_space<vmem>>[vector<16xi32>, vector<16xi32>], vector<16xf32>,
        %le3A_381 = arith.cmpf ole, %gather3A_369, %get3A_27 : vector<16xf32>
        %select_n3A_382 = arith.select %le3A_381, %add3A_299, %select_n3A_274 : vector<16xi1>, vector<16xi32>
        %le3A_383 = arith.cmpf ole, %gather3A_370, %get3A_30 : vector<16xf32>
        %select_n3A_384 = arith.select %le3A_383, %add3A_302, %select_n3A_276 : vector<16xi1>, vector<16xi32>
        %le3A_385 = arith.cmpf ole, %gather3A_371, %get3A_33 : vector<16xf32>
        %select_n3A_386 = arith.select %le3A_385, %add3A_305, %select_n3A_278 : vector<16xi1>, vector<16xi32>
        %le3A_387 = arith.cmpf ole, %gather3A_372, %get3A_36 : vector<16xf32>
        %select_n3A_388 = arith.select %le3A_387, %add3A_308, %select_n3A_280 : vector<16xi1>, vector<16xi32>
        %le3A_389 = arith.cmpf ole, %gather3A_373, %get3A_39 : vector<16xf32>
        %select_n3A_390 = arith.select %le3A_389, %add3A_311, %select_n3A_282 : vector<16xi1>, vector<16xi32>
        %le3A_391 = arith.cmpf ole, %gather3A_374, %get3A_42 : vector<16xf32>
        %select_n3A_392 = arith.select %le3A_391, %add3A_314, %select_n3A_284 : vector<16xi1>, vector<16xi32>
        %le3A_393 = arith.cmpf ole, %gather3A_375, %get3A_45 : vector<16xf32>
        %select_n3A_394 = arith.select %le3A_393, %add3A_317, %select_n3A_286 : vector<16xi1>, vector<16xi32>
        %le3A_395 = arith.cmpf ole, %gather3A_376, %get3A_48 : vector<16xf32>
        %select_n3A_396 = arith.select %le3A_395, %add3A_320, %select_n3A_288 : vector<16xi1>, vector<16xi32>
        %le3A_397 = arith.cmpf ole, %gather3A_377, %get3A_51 : vector<16xf32>
        %select_n3A_398 = arith.select %le3A_397, %add3A_323, %select_n3A_290 : vector<16xi1>, vector<16xi32>
        %le3A_399 = arith.cmpf ole, %gather3A_378, %get3A_54 : vector<16xf32>
        %select_n3A_400 = arith.select %le3A_399, %add3A_326, %select_n3A_292 : vector<16xi1>, vector<16xi32>
        %le3A_401 = arith.cmpf ole, %gather3A_379, %get3A_57 : vector<16xf32>
        %select_n3A_402 = arith.select %le3A_401, %add3A_329, %select_n3A_294 : vector<16xi1>, vector<16xi32>
        %le3A_403 = arith.cmpf ole, %gather3A_380, %get3A_60 : vector<16xf32>
        %select_n3A_404 = arith.select %le3A_403, %add3A_332, %select_n3A_296 : vector<16xi1>, vector<16xi32>
        %add3A_405 = arith.constant 16 : i32
        %add3A_406 = vector.broadcast %add3A_405 : i32 to vector<16xi32>
        %add3A_407 = arith.addi %select_n3A_382, %add3A_406 : vector<16xi32>
        %add3A_408 = arith.constant 16 : i32
        %add3A_409 = vector.broadcast %add3A_408 : i32 to vector<16xi32>
        %add3A_410 = arith.addi %select_n3A_384, %add3A_409 : vector<16xi32>
        %add3A_411 = arith.constant 16 : i32
        %add3A_412 = vector.broadcast %add3A_411 : i32 to vector<16xi32>
        %add3A_413 = arith.addi %select_n3A_386, %add3A_412 : vector<16xi32>
        %add3A_414 = arith.constant 16 : i32
        %add3A_415 = vector.broadcast %add3A_414 : i32 to vector<16xi32>
        %add3A_416 = arith.addi %select_n3A_388, %add3A_415 : vector<16xi32>
        %add3A_417 = arith.constant 16 : i32
        %add3A_418 = vector.broadcast %add3A_417 : i32 to vector<16xi32>
        %add3A_419 = arith.addi %select_n3A_390, %add3A_418 : vector<16xi32>
        %add3A_420 = arith.constant 16 : i32
        %add3A_421 = vector.broadcast %add3A_420 : i32 to vector<16xi32>
        %add3A_422 = arith.addi %select_n3A_392, %add3A_421 : vector<16xi32>
        %add3A_423 = arith.constant 16 : i32
        %add3A_424 = vector.broadcast %add3A_423 : i32 to vector<16xi32>
        %add3A_425 = arith.addi %select_n3A_394, %add3A_424 : vector<16xi32>
        %add3A_426 = arith.constant 16 : i32
        %add3A_427 = vector.broadcast %add3A_426 : i32 to vector<16xi32>
        %add3A_428 = arith.addi %select_n3A_396, %add3A_427 : vector<16xi32>
        %add3A_429 = arith.constant 16 : i32
        %add3A_430 = vector.broadcast %add3A_429 : i32 to vector<16xi32>
        %add3A_431 = arith.addi %select_n3A_398, %add3A_430 : vector<16xi32>
        %add3A_432 = arith.constant 16 : i32
        %add3A_433 = vector.broadcast %add3A_432 : i32 to vector<16xi32>
        %add3A_434 = arith.addi %select_n3A_400, %add3A_433 : vector<16xi32>
        %add3A_435 = arith.constant 16 : i32
        %add3A_436 = vector.broadcast %add3A_435 : i32 to vector<16xi32>
        %add3A_437 = arith.addi %select_n3A_402, %add3A_436 : vector<16xi32>
        %add3A_438 = arith.constant 16 : i32
        %add3A_439 = vector.broadcast %add3A_438 : i32 to vector<16xi32>
        %add3A_440 = arith.addi %select_n3A_404, %add3A_439 : vector<16xi32>
        %min3A_441 = arith.constant 191 : i32
        %min3A_442 = vector.broadcast %min3A_441 : i32 to vector<16xi32>
        %min3A_443 = arith.minsi %add3A_407, %min3A_442 : vector<16xi32>
        %min3A_444 = arith.constant 191 : i32
        %min3A_445 = vector.broadcast %min3A_444 : i32 to vector<16xi32>
        %min3A_446 = arith.minsi %add3A_410, %min3A_445 : vector<16xi32>
        %min3A_447 = arith.constant 191 : i32
        %min3A_448 = vector.broadcast %min3A_447 : i32 to vector<16xi32>
        %min3A_449 = arith.minsi %add3A_413, %min3A_448 : vector<16xi32>
        %min3A_450 = arith.constant 191 : i32
        %min3A_451 = vector.broadcast %min3A_450 : i32 to vector<16xi32>
        %min3A_452 = arith.minsi %add3A_416, %min3A_451 : vector<16xi32>
        %min3A_453 = arith.constant 191 : i32
        %min3A_454 = vector.broadcast %min3A_453 : i32 to vector<16xi32>
        %min3A_455 = arith.minsi %add3A_419, %min3A_454 : vector<16xi32>
        %min3A_456 = arith.constant 191 : i32
        %min3A_457 = vector.broadcast %min3A_456 : i32 to vector<16xi32>
        %min3A_458 = arith.minsi %add3A_422, %min3A_457 : vector<16xi32>
        %min3A_459 = arith.constant 191 : i32
        %min3A_460 = vector.broadcast %min3A_459 : i32 to vector<16xi32>
        %min3A_461 = arith.minsi %add3A_425, %min3A_460 : vector<16xi32>
        %min3A_462 = arith.constant 191 : i32
        %min3A_463 = vector.broadcast %min3A_462 : i32 to vector<16xi32>
        %min3A_464 = arith.minsi %add3A_428, %min3A_463 : vector<16xi32>
        %min3A_465 = arith.constant 191 : i32
        %min3A_466 = vector.broadcast %min3A_465 : i32 to vector<16xi32>
        %min3A_467 = arith.minsi %add3A_431, %min3A_466 : vector<16xi32>
        %min3A_468 = arith.constant 191 : i32
        %min3A_469 = vector.broadcast %min3A_468 : i32 to vector<16xi32>
        %min3A_470 = arith.minsi %add3A_434, %min3A_469 : vector<16xi32>
        %min3A_471 = arith.constant 191 : i32
        %min3A_472 = vector.broadcast %min3A_471 : i32 to vector<16xi32>
        %min3A_473 = arith.minsi %add3A_437, %min3A_472 : vector<16xi32>
        %min3A_474 = arith.constant 191 : i32
        %min3A_475 = vector.broadcast %min3A_474 : i32 to vector<16xi32>
        %min3A_476 = arith.minsi %add3A_440, %min3A_475 : vector<16xi32>
        %gather3A_477 = tpu.vector_load_idx %arg6[%broadcast_in_dim3A, %min3A_443] : memref<64x192xf32, #tpu.memory_space<vmem>>[vector<16xi32>, vector<16xi32>], vector<16xf32>,
        %gather3A_478 = tpu.vector_load_idx %arg6[%broadcast_in_dim3A, %min3A_446] : memref<64x192xf32, #tpu.memory_space<vmem>>[vector<16xi32>, vector<16xi32>], vector<16xf32>,
        %gather3A_479 = tpu.vector_load_idx %arg6[%broadcast_in_dim3A, %min3A_449] : memref<64x192xf32, #tpu.memory_space<vmem>>[vector<16xi32>, vector<16xi32>], vector<16xf32>,
        %gather3A_480 = tpu.vector_load_idx %arg6[%broadcast_in_dim3A, %min3A_452] : memref<64x192xf32, #tpu.memory_space<vmem>>[vector<16xi32>, vector<16xi32>], vector<16xf32>,
        %gather3A_481 = tpu.vector_load_idx %arg6[%broadcast_in_dim3A, %min3A_455] : memref<64x192xf32, #tpu.memory_space<vmem>>[vector<16xi32>, vector<16xi32>], vector<16xf32>,
        %gather3A_482 = tpu.vector_load_idx %arg6[%broadcast_in_dim3A, %min3A_458] : memref<64x192xf32, #tpu.memory_space<vmem>>[vector<16xi32>, vector<16xi32>], vector<16xf32>,
        %gather3A_483 = tpu.vector_load_idx %arg6[%add3A_25, %min3A_461] : memref<64x192xf32, #tpu.memory_space<vmem>>[vector<16xi32>, vector<16xi32>], vector<16xf32>,
        %gather3A_484 = tpu.vector_load_idx %arg6[%add3A_25, %min3A_464] : memref<64x192xf32, #tpu.memory_space<vmem>>[vector<16xi32>, vector<16xi32>], vector<16xf32>,
        %gather3A_485 = tpu.vector_load_idx %arg6[%add3A_25, %min3A_467] : memref<64x192xf32, #tpu.memory_space<vmem>>[vector<16xi32>, vector<16xi32>], vector<16xf32>,
        %gather3A_486 = tpu.vector_load_idx %arg6[%add3A_25, %min3A_470] : memref<64x192xf32, #tpu.memory_space<vmem>>[vector<16xi32>, vector<16xi32>], vector<16xf32>,
        %gather3A_487 = tpu.vector_load_idx %arg6[%add3A_25, %min3A_473] : memref<64x192xf32, #tpu.memory_space<vmem>>[vector<16xi32>, vector<16xi32>], vector<16xf32>,
        %gather3A_488 = tpu.vector_load_idx %arg6[%add3A_25, %min3A_476] : memref<64x192xf32, #tpu.memory_space<vmem>>[vector<16xi32>, vector<16xi32>], vector<16xf32>,
        %le3A_489 = arith.cmpf ole, %gather3A_477, %get3A_27 : vector<16xf32>
        %select_n3A_490 = arith.select %le3A_489, %add3A_407, %select_n3A_382 : vector<16xi1>, vector<16xi32>
        %le3A_491 = arith.cmpf ole, %gather3A_478, %get3A_30 : vector<16xf32>
        %select_n3A_492 = arith.select %le3A_491, %add3A_410, %select_n3A_384 : vector<16xi1>, vector<16xi32>
        %le3A_493 = arith.cmpf ole, %gather3A_479, %get3A_33 : vector<16xf32>
        %select_n3A_494 = arith.select %le3A_493, %add3A_413, %select_n3A_386 : vector<16xi1>, vector<16xi32>
        %le3A_495 = arith.cmpf ole, %gather3A_480, %get3A_36 : vector<16xf32>
        %select_n3A_496 = arith.select %le3A_495, %add3A_416, %select_n3A_388 : vector<16xi1>, vector<16xi32>
        %le3A_497 = arith.cmpf ole, %gather3A_481, %get3A_39 : vector<16xf32>
        %select_n3A_498 = arith.select %le3A_497, %add3A_419, %select_n3A_390 : vector<16xi1>, vector<16xi32>
        %le3A_499 = arith.cmpf ole, %gather3A_482, %get3A_42 : vector<16xf32>
        %select_n3A_500 = arith.select %le3A_499, %add3A_422, %select_n3A_392 : vector<16xi1>, vector<16xi32>
        %le3A_501 = arith.cmpf ole, %gather3A_483, %get3A_45 : vector<16xf32>
        %select_n3A_502 = arith.select %le3A_501, %add3A_425, %select_n3A_394 : vector<16xi1>, vector<16xi32>
        %le3A_503 = arith.cmpf ole, %gather3A_484, %get3A_48 : vector<16xf32>
        %select_n3A_504 = arith.select %le3A_503, %add3A_428, %select_n3A_396 : vector<16xi1>, vector<16xi32>
        %le3A_505 = arith.cmpf ole, %gather3A_485, %get3A_51 : vector<16xf32>
        %select_n3A_506 = arith.select %le3A_505, %add3A_431, %select_n3A_398 : vector<16xi1>, vector<16xi32>
        %le3A_507 = arith.cmpf ole, %gather3A_486, %get3A_54 : vector<16xf32>
        %select_n3A_508 = arith.select %le3A_507, %add3A_434, %select_n3A_400 : vector<16xi1>, vector<16xi32>
        %le3A_509 = arith.cmpf ole, %gather3A_487, %get3A_57 : vector<16xf32>
        %select_n3A_510 = arith.select %le3A_509, %add3A_437, %select_n3A_402 : vector<16xi1>, vector<16xi32>
        %le3A_511 = arith.cmpf ole, %gather3A_488, %get3A_60 : vector<16xf32>
        %select_n3A_512 = arith.select %le3A_511, %add3A_440, %select_n3A_404 : vector<16xi1>, vector<16xi32>
        %add3A_513 = arith.constant 8 : i32
        %add3A_514 = vector.broadcast %add3A_513 : i32 to vector<16xi32>
        %add3A_515 = arith.addi %select_n3A_490, %add3A_514 : vector<16xi32>
        %add3A_516 = arith.constant 8 : i32
        %add3A_517 = vector.broadcast %add3A_516 : i32 to vector<16xi32>
        %add3A_518 = arith.addi %select_n3A_492, %add3A_517 : vector<16xi32>
        %add3A_519 = arith.constant 8 : i32
        %add3A_520 = vector.broadcast %add3A_519 : i32 to vector<16xi32>
        %add3A_521 = arith.addi %select_n3A_494, %add3A_520 : vector<16xi32>
        %add3A_522 = arith.constant 8 : i32
        %add3A_523 = vector.broadcast %add3A_522 : i32 to vector<16xi32>
        %add3A_524 = arith.addi %select_n3A_496, %add3A_523 : vector<16xi32>
        %add3A_525 = arith.constant 8 : i32
        %add3A_526 = vector.broadcast %add3A_525 : i32 to vector<16xi32>
        %add3A_527 = arith.addi %select_n3A_498, %add3A_526 : vector<16xi32>
        %add3A_528 = arith.constant 8 : i32
        %add3A_529 = vector.broadcast %add3A_528 : i32 to vector<16xi32>
        %add3A_530 = arith.addi %select_n3A_500, %add3A_529 : vector<16xi32>
        %add3A_531 = arith.constant 8 : i32
        %add3A_532 = vector.broadcast %add3A_531 : i32 to vector<16xi32>
        %add3A_533 = arith.addi %select_n3A_502, %add3A_532 : vector<16xi32>
        %add3A_534 = arith.constant 8 : i32
        %add3A_535 = vector.broadcast %add3A_534 : i32 to vector<16xi32>
        %add3A_536 = arith.addi %select_n3A_504, %add3A_535 : vector<16xi32>
        %add3A_537 = arith.constant 8 : i32
        %add3A_538 = vector.broadcast %add3A_537 : i32 to vector<16xi32>
        %add3A_539 = arith.addi %select_n3A_506, %add3A_538 : vector<16xi32>
        %add3A_540 = arith.constant 8 : i32
        %add3A_541 = vector.broadcast %add3A_540 : i32 to vector<16xi32>
        %add3A_542 = arith.addi %select_n3A_508, %add3A_541 : vector<16xi32>
        %add3A_543 = arith.constant 8 : i32
        %add3A_544 = vector.broadcast %add3A_543 : i32 to vector<16xi32>
        %add3A_545 = arith.addi %select_n3A_510, %add3A_544 : vector<16xi32>
        %add3A_546 = arith.constant 8 : i32
        %add3A_547 = vector.broadcast %add3A_546 : i32 to vector<16xi32>
        %add3A_548 = arith.addi %select_n3A_512, %add3A_547 : vector<16xi32>
        %min3A_549 = arith.constant 191 : i32
        %min3A_550 = vector.broadcast %min3A_549 : i32 to vector<16xi32>
        %min3A_551 = arith.minsi %add3A_515, %min3A_550 : vector<16xi32>
        %min3A_552 = arith.constant 191 : i32
        %min3A_553 = vector.broadcast %min3A_552 : i32 to vector<16xi32>
        %min3A_554 = arith.minsi %add3A_518, %min3A_553 : vector<16xi32>
        %min3A_555 = arith.constant 191 : i32
        %min3A_556 = vector.broadcast %min3A_555 : i32 to vector<16xi32>
        %min3A_557 = arith.minsi %add3A_521, %min3A_556 : vector<16xi32>
        %min3A_558 = arith.constant 191 : i32
        %min3A_559 = vector.broadcast %min3A_558 : i32 to vector<16xi32>
        %min3A_560 = arith.minsi %add3A_524, %min3A_559 : vector<16xi32>
        %min3A_561 = arith.constant 191 : i32
        %min3A_562 = vector.broadcast %min3A_561 : i32 to vector<16xi32>
        %min3A_563 = arith.minsi %add3A_527, %min3A_562 : vector<16xi32>
        %min3A_564 = arith.constant 191 : i32
        %min3A_565 = vector.broadcast %min3A_564 : i32 to vector<16xi32>
        %min3A_566 = arith.minsi %add3A_530, %min3A_565 : vector<16xi32>
        %min3A_567 = arith.constant 191 : i32
        %min3A_568 = vector.broadcast %min3A_567 : i32 to vector<16xi32>
        %min3A_569 = arith.minsi %add3A_533, %min3A_568 : vector<16xi32>
        %min3A_570 = arith.constant 191 : i32
        %min3A_571 = vector.broadcast %min3A_570 : i32 to vector<16xi32>
        %min3A_572 = arith.minsi %add3A_536, %min3A_571 : vector<16xi32>
        %min3A_573 = arith.constant 191 : i32
        %min3A_574 = vector.broadcast %min3A_573 : i32 to vector<16xi32>
        %min3A_575 = arith.minsi %add3A_539, %min3A_574 : vector<16xi32>
        %min3A_576 = arith.constant 191 : i32
        %min3A_577 = vector.broadcast %min3A_576 : i32 to vector<16xi32>
        %min3A_578 = arith.minsi %add3A_542, %min3A_577 : vector<16xi32>
        %min3A_579 = arith.constant 191 : i32
        %min3A_580 = vector.broadcast %min3A_579 : i32 to vector<16xi32>
        %min3A_581 = arith.minsi %add3A_545, %min3A_580 : vector<16xi32>
        %min3A_582 = arith.constant 191 : i32
        %min3A_583 = vector.broadcast %min3A_582 : i32 to vector<16xi32>
        %min3A_584 = arith.minsi %add3A_548, %min3A_583 : vector<16xi32>
        %gather3A_585 = tpu.vector_load_idx %arg6[%broadcast_in_dim3A, %min3A_551] : memref<64x192xf32, #tpu.memory_space<vmem>>[vector<16xi32>, vector<16xi32>], vector<16xf32>,
        %gather3A_586 = tpu.vector_load_idx %arg6[%broadcast_in_dim3A, %min3A_554] : memref<64x192xf32, #tpu.memory_space<vmem>>[vector<16xi32>, vector<16xi32>], vector<16xf32>,
        %gather3A_587 = tpu.vector_load_idx %arg6[%broadcast_in_dim3A, %min3A_557] : memref<64x192xf32, #tpu.memory_space<vmem>>[vector<16xi32>, vector<16xi32>], vector<16xf32>,
        %gather3A_588 = tpu.vector_load_idx %arg6[%broadcast_in_dim3A, %min3A_560] : memref<64x192xf32, #tpu.memory_space<vmem>>[vector<16xi32>, vector<16xi32>], vector<16xf32>,
        %gather3A_589 = tpu.vector_load_idx %arg6[%broadcast_in_dim3A, %min3A_563] : memref<64x192xf32, #tpu.memory_space<vmem>>[vector<16xi32>, vector<16xi32>], vector<16xf32>,
        %gather3A_590 = tpu.vector_load_idx %arg6[%broadcast_in_dim3A, %min3A_566] : memref<64x192xf32, #tpu.memory_space<vmem>>[vector<16xi32>, vector<16xi32>], vector<16xf32>,
        %gather3A_591 = tpu.vector_load_idx %arg6[%add3A_25, %min3A_569] : memref<64x192xf32, #tpu.memory_space<vmem>>[vector<16xi32>, vector<16xi32>], vector<16xf32>,
        %gather3A_592 = tpu.vector_load_idx %arg6[%add3A_25, %min3A_572] : memref<64x192xf32, #tpu.memory_space<vmem>>[vector<16xi32>, vector<16xi32>], vector<16xf32>,
        %gather3A_593 = tpu.vector_load_idx %arg6[%add3A_25, %min3A_575] : memref<64x192xf32, #tpu.memory_space<vmem>>[vector<16xi32>, vector<16xi32>], vector<16xf32>,
        %gather3A_594 = tpu.vector_load_idx %arg6[%add3A_25, %min3A_578] : memref<64x192xf32, #tpu.memory_space<vmem>>[vector<16xi32>, vector<16xi32>], vector<16xf32>,
        %gather3A_595 = tpu.vector_load_idx %arg6[%add3A_25, %min3A_581] : memref<64x192xf32, #tpu.memory_space<vmem>>[vector<16xi32>, vector<16xi32>], vector<16xf32>,
        %gather3A_596 = tpu.vector_load_idx %arg6[%add3A_25, %min3A_584] : memref<64x192xf32, #tpu.memory_space<vmem>>[vector<16xi32>, vector<16xi32>], vector<16xf32>,
        %le3A_597 = arith.cmpf ole, %gather3A_585, %get3A_27 : vector<16xf32>
        %select_n3A_598 = arith.select %le3A_597, %add3A_515, %select_n3A_490 : vector<16xi1>, vector<16xi32>
        %le3A_599 = arith.cmpf ole, %gather3A_586, %get3A_30 : vector<16xf32>
        %select_n3A_600 = arith.select %le3A_599, %add3A_518, %select_n3A_492 : vector<16xi1>, vector<16xi32>
        %le3A_601 = arith.cmpf ole, %gather3A_587, %get3A_33 : vector<16xf32>
        %select_n3A_602 = arith.select %le3A_601, %add3A_521, %select_n3A_494 : vector<16xi1>, vector<16xi32>
        %le3A_603 = arith.cmpf ole, %gather3A_588, %get3A_36 : vector<16xf32>
        %select_n3A_604 = arith.select %le3A_603, %add3A_524, %select_n3A_496 : vector<16xi1>, vector<16xi32>
        %le3A_605 = arith.cmpf ole, %gather3A_589, %get3A_39 : vector<16xf32>
        %select_n3A_606 = arith.select %le3A_605, %add3A_527, %select_n3A_498 : vector<16xi1>, vector<16xi32>
        %le3A_607 = arith.cmpf ole, %gather3A_590, %get3A_42 : vector<16xf32>
        %select_n3A_608 = arith.select %le3A_607, %add3A_530, %select_n3A_500 : vector<16xi1>, vector<16xi32>
        %le3A_609 = arith.cmpf ole, %gather3A_591, %get3A_45 : vector<16xf32>
        %select_n3A_610 = arith.select %le3A_609, %add3A_533, %select_n3A_502 : vector<16xi1>, vector<16xi32>
        %le3A_611 = arith.cmpf ole, %gather3A_592, %get3A_48 : vector<16xf32>
        %select_n3A_612 = arith.select %le3A_611, %add3A_536, %select_n3A_504 : vector<16xi1>, vector<16xi32>
        %le3A_613 = arith.cmpf ole, %gather3A_593, %get3A_51 : vector<16xf32>
        %select_n3A_614 = arith.select %le3A_613, %add3A_539, %select_n3A_506 : vector<16xi1>, vector<16xi32>
        %le3A_615 = arith.cmpf ole, %gather3A_594, %get3A_54 : vector<16xf32>
        %select_n3A_616 = arith.select %le3A_615, %add3A_542, %select_n3A_508 : vector<16xi1>, vector<16xi32>
        %le3A_617 = arith.cmpf ole, %gather3A_595, %get3A_57 : vector<16xf32>
        %select_n3A_618 = arith.select %le3A_617, %add3A_545, %select_n3A_510 : vector<16xi1>, vector<16xi32>
        %le3A_619 = arith.cmpf ole, %gather3A_596, %get3A_60 : vector<16xf32>
        %select_n3A_620 = arith.select %le3A_619, %add3A_548, %select_n3A_512 : vector<16xi1>, vector<16xi32>
        %add3A_621 = arith.constant 4 : i32
        %add3A_622 = vector.broadcast %add3A_621 : i32 to vector<16xi32>
        %add3A_623 = arith.addi %select_n3A_598, %add3A_622 : vector<16xi32>
        %add3A_624 = arith.constant 4 : i32
        %add3A_625 = vector.broadcast %add3A_624 : i32 to vector<16xi32>
        %add3A_626 = arith.addi %select_n3A_600, %add3A_625 : vector<16xi32>
        %add3A_627 = arith.constant 4 : i32
        %add3A_628 = vector.broadcast %add3A_627 : i32 to vector<16xi32>
        %add3A_629 = arith.addi %select_n3A_602, %add3A_628 : vector<16xi32>
        %add3A_630 = arith.constant 4 : i32
        %add3A_631 = vector.broadcast %add3A_630 : i32 to vector<16xi32>
        %add3A_632 = arith.addi %select_n3A_604, %add3A_631 : vector<16xi32>
        %add3A_633 = arith.constant 4 : i32
        %add3A_634 = vector.broadcast %add3A_633 : i32 to vector<16xi32>
        %add3A_635 = arith.addi %select_n3A_606, %add3A_634 : vector<16xi32>
        %add3A_636 = arith.constant 4 : i32
        %add3A_637 = vector.broadcast %add3A_636 : i32 to vector<16xi32>
        %add3A_638 = arith.addi %select_n3A_608, %add3A_637 : vector<16xi32>
        %add3A_639 = arith.constant 4 : i32
        %add3A_640 = vector.broadcast %add3A_639 : i32 to vector<16xi32>
        %add3A_641 = arith.addi %select_n3A_610, %add3A_640 : vector<16xi32>
        %add3A_642 = arith.constant 4 : i32
        %add3A_643 = vector.broadcast %add3A_642 : i32 to vector<16xi32>
        %add3A_644 = arith.addi %select_n3A_612, %add3A_643 : vector<16xi32>
        %add3A_645 = arith.constant 4 : i32
        %add3A_646 = vector.broadcast %add3A_645 : i32 to vector<16xi32>
        %add3A_647 = arith.addi %select_n3A_614, %add3A_646 : vector<16xi32>
        %add3A_648 = arith.constant 4 : i32
        %add3A_649 = vector.broadcast %add3A_648 : i32 to vector<16xi32>
        %add3A_650 = arith.addi %select_n3A_616, %add3A_649 : vector<16xi32>
        %add3A_651 = arith.constant 4 : i32
        %add3A_652 = vector.broadcast %add3A_651 : i32 to vector<16xi32>
        %add3A_653 = arith.addi %select_n3A_618, %add3A_652 : vector<16xi32>
        %add3A_654 = arith.constant 4 : i32
        %add3A_655 = vector.broadcast %add3A_654 : i32 to vector<16xi32>
        %add3A_656 = arith.addi %select_n3A_620, %add3A_655 : vector<16xi32>
        %min3A_657 = arith.constant 191 : i32
        %min3A_658 = vector.broadcast %min3A_657 : i32 to vector<16xi32>
        %min3A_659 = arith.minsi %add3A_623, %min3A_658 : vector<16xi32>
        %min3A_660 = arith.constant 191 : i32
        %min3A_661 = vector.broadcast %min3A_660 : i32 to vector<16xi32>
        %min3A_662 = arith.minsi %add3A_626, %min3A_661 : vector<16xi32>
        %min3A_663 = arith.constant 191 : i32
        %min3A_664 = vector.broadcast %min3A_663 : i32 to vector<16xi32>
        %min3A_665 = arith.minsi %add3A_629, %min3A_664 : vector<16xi32>
        %min3A_666 = arith.constant 191 : i32
        %min3A_667 = vector.broadcast %min3A_666 : i32 to vector<16xi32>
        %min3A_668 = arith.minsi %add3A_632, %min3A_667 : vector<16xi32>
        %min3A_669 = arith.constant 191 : i32
        %min3A_670 = vector.broadcast %min3A_669 : i32 to vector<16xi32>
        %min3A_671 = arith.minsi %add3A_635, %min3A_670 : vector<16xi32>
        %min3A_672 = arith.constant 191 : i32
        %min3A_673 = vector.broadcast %min3A_672 : i32 to vector<16xi32>
        %min3A_674 = arith.minsi %add3A_638, %min3A_673 : vector<16xi32>
        %min3A_675 = arith.constant 191 : i32
        %min3A_676 = vector.broadcast %min3A_675 : i32 to vector<16xi32>
        %min3A_677 = arith.minsi %add3A_641, %min3A_676 : vector<16xi32>
        %min3A_678 = arith.constant 191 : i32
        %min3A_679 = vector.broadcast %min3A_678 : i32 to vector<16xi32>
        %min3A_680 = arith.minsi %add3A_644, %min3A_679 : vector<16xi32>
        %min3A_681 = arith.constant 191 : i32
        %min3A_682 = vector.broadcast %min3A_681 : i32 to vector<16xi32>
        %min3A_683 = arith.minsi %add3A_647, %min3A_682 : vector<16xi32>
        %min3A_684 = arith.constant 191 : i32
        %min3A_685 = vector.broadcast %min3A_684 : i32 to vector<16xi32>
        %min3A_686 = arith.minsi %add3A_650, %min3A_685 : vector<16xi32>
        %min3A_687 = arith.constant 191 : i32
        %min3A_688 = vector.broadcast %min3A_687 : i32 to vector<16xi32>
        %min3A_689 = arith.minsi %add3A_653, %min3A_688 : vector<16xi32>
        %min3A_690 = arith.constant 191 : i32
        %min3A_691 = vector.broadcast %min3A_690 : i32 to vector<16xi32>
        %min3A_692 = arith.minsi %add3A_656, %min3A_691 : vector<16xi32>
        %gather3A_693 = tpu.vector_load_idx %arg6[%broadcast_in_dim3A, %min3A_659] : memref<64x192xf32, #tpu.memory_space<vmem>>[vector<16xi32>, vector<16xi32>], vector<16xf32>,
        %gather3A_694 = tpu.vector_load_idx %arg6[%broadcast_in_dim3A, %min3A_662] : memref<64x192xf32, #tpu.memory_space<vmem>>[vector<16xi32>, vector<16xi32>], vector<16xf32>,
        %gather3A_695 = tpu.vector_load_idx %arg6[%broadcast_in_dim3A, %min3A_665] : memref<64x192xf32, #tpu.memory_space<vmem>>[vector<16xi32>, vector<16xi32>], vector<16xf32>,
        %gather3A_696 = tpu.vector_load_idx %arg6[%broadcast_in_dim3A, %min3A_668] : memref<64x192xf32, #tpu.memory_space<vmem>>[vector<16xi32>, vector<16xi32>], vector<16xf32>,
        %gather3A_697 = tpu.vector_load_idx %arg6[%broadcast_in_dim3A, %min3A_671] : memref<64x192xf32, #tpu.memory_space<vmem>>[vector<16xi32>, vector<16xi32>], vector<16xf32>,
        %gather3A_698 = tpu.vector_load_idx %arg6[%broadcast_in_dim3A, %min3A_674] : memref<64x192xf32, #tpu.memory_space<vmem>>[vector<16xi32>, vector<16xi32>], vector<16xf32>,
        %gather3A_699 = tpu.vector_load_idx %arg6[%add3A_25, %min3A_677] : memref<64x192xf32, #tpu.memory_space<vmem>>[vector<16xi32>, vector<16xi32>], vector<16xf32>,
        %gather3A_700 = tpu.vector_load_idx %arg6[%add3A_25, %min3A_680] : memref<64x192xf32, #tpu.memory_space<vmem>>[vector<16xi32>, vector<16xi32>], vector<16xf32>,
        %gather3A_701 = tpu.vector_load_idx %arg6[%add3A_25, %min3A_683] : memref<64x192xf32, #tpu.memory_space<vmem>>[vector<16xi32>, vector<16xi32>], vector<16xf32>,
        %gather3A_702 = tpu.vector_load_idx %arg6[%add3A_25, %min3A_686] : memref<64x192xf32, #tpu.memory_space<vmem>>[vector<16xi32>, vector<16xi32>], vector<16xf32>,
        %gather3A_703 = tpu.vector_load_idx %arg6[%add3A_25, %min3A_689] : memref<64x192xf32, #tpu.memory_space<vmem>>[vector<16xi32>, vector<16xi32>], vector<16xf32>,
        %gather3A_704 = tpu.vector_load_idx %arg6[%add3A_25, %min3A_692] : memref<64x192xf32, #tpu.memory_space<vmem>>[vector<16xi32>, vector<16xi32>], vector<16xf32>,
        %le3A_705 = arith.cmpf ole, %gather3A_693, %get3A_27 : vector<16xf32>
        %select_n3A_706 = arith.select %le3A_705, %add3A_623, %select_n3A_598 : vector<16xi1>, vector<16xi32>
        %le3A_707 = arith.cmpf ole, %gather3A_694, %get3A_30 : vector<16xf32>
        %select_n3A_708 = arith.select %le3A_707, %add3A_626, %select_n3A_600 : vector<16xi1>, vector<16xi32>
        %le3A_709 = arith.cmpf ole, %gather3A_695, %get3A_33 : vector<16xf32>
        %select_n3A_710 = arith.select %le3A_709, %add3A_629, %select_n3A_602 : vector<16xi1>, vector<16xi32>
        %le3A_711 = arith.cmpf ole, %gather3A_696, %get3A_36 : vector<16xf32>
        %select_n3A_712 = arith.select %le3A_711, %add3A_632, %select_n3A_604 : vector<16xi1>, vector<16xi32>
        %le3A_713 = arith.cmpf ole, %gather3A_697, %get3A_39 : vector<16xf32>
        %select_n3A_714 = arith.select %le3A_713, %add3A_635, %select_n3A_606 : vector<16xi1>, vector<16xi32>
        %le3A_715 = arith.cmpf ole, %gather3A_698, %get3A_42 : vector<16xf32>
        %select_n3A_716 = arith.select %le3A_715, %add3A_638, %select_n3A_608 : vector<16xi1>, vector<16xi32>
        %le3A_717 = arith.cmpf ole, %gather3A_699, %get3A_45 : vector<16xf32>
        %select_n3A_718 = arith.select %le3A_717, %add3A_641, %select_n3A_610 : vector<16xi1>, vector<16xi32>
        %le3A_719 = arith.cmpf ole, %gather3A_700, %get3A_48 : vector<16xf32>
        %select_n3A_720 = arith.select %le3A_719, %add3A_644, %select_n3A_612 : vector<16xi1>, vector<16xi32>
        %le3A_721 = arith.cmpf ole, %gather3A_701, %get3A_51 : vector<16xf32>
        %select_n3A_722 = arith.select %le3A_721, %add3A_647, %select_n3A_614 : vector<16xi1>, vector<16xi32>
        %le3A_723 = arith.cmpf ole, %gather3A_702, %get3A_54 : vector<16xf32>
        %select_n3A_724 = arith.select %le3A_723, %add3A_650, %select_n3A_616 : vector<16xi1>, vector<16xi32>
        %le3A_725 = arith.cmpf ole, %gather3A_703, %get3A_57 : vector<16xf32>
        %select_n3A_726 = arith.select %le3A_725, %add3A_653, %select_n3A_618 : vector<16xi1>, vector<16xi32>
        %le3A_727 = arith.cmpf ole, %gather3A_704, %get3A_60 : vector<16xf32>
        %select_n3A_728 = arith.select %le3A_727, %add3A_656, %select_n3A_620 : vector<16xi1>, vector<16xi32>
        %add3A_729 = arith.constant 2 : i32
        %add3A_730 = vector.broadcast %add3A_729 : i32 to vector<16xi32>
        %add3A_731 = arith.addi %select_n3A_706, %add3A_730 : vector<16xi32>
        %add3A_732 = arith.constant 2 : i32
        %add3A_733 = vector.broadcast %add3A_732 : i32 to vector<16xi32>
        %add3A_734 = arith.addi %select_n3A_708, %add3A_733 : vector<16xi32>
        %add3A_735 = arith.constant 2 : i32
        %add3A_736 = vector.broadcast %add3A_735 : i32 to vector<16xi32>
        %add3A_737 = arith.addi %select_n3A_710, %add3A_736 : vector<16xi32>
        %add3A_738 = arith.constant 2 : i32
        %add3A_739 = vector.broadcast %add3A_738 : i32 to vector<16xi32>
        %add3A_740 = arith.addi %select_n3A_712, %add3A_739 : vector<16xi32>
        %add3A_741 = arith.constant 2 : i32
        %add3A_742 = vector.broadcast %add3A_741 : i32 to vector<16xi32>
        %add3A_743 = arith.addi %select_n3A_714, %add3A_742 : vector<16xi32>
        %add3A_744 = arith.constant 2 : i32
        %add3A_745 = vector.broadcast %add3A_744 : i32 to vector<16xi32>
        %add3A_746 = arith.addi %select_n3A_716, %add3A_745 : vector<16xi32>
        %add3A_747 = arith.constant 2 : i32
        %add3A_748 = vector.broadcast %add3A_747 : i32 to vector<16xi32>
        %add3A_749 = arith.addi %select_n3A_718, %add3A_748 : vector<16xi32>
        %add3A_750 = arith.constant 2 : i32
        %add3A_751 = vector.broadcast %add3A_750 : i32 to vector<16xi32>
        %add3A_752 = arith.addi %select_n3A_720, %add3A_751 : vector<16xi32>
        %add3A_753 = arith.constant 2 : i32
        %add3A_754 = vector.broadcast %add3A_753 : i32 to vector<16xi32>
        %add3A_755 = arith.addi %select_n3A_722, %add3A_754 : vector<16xi32>
        %add3A_756 = arith.constant 2 : i32
        %add3A_757 = vector.broadcast %add3A_756 : i32 to vector<16xi32>
        %add3A_758 = arith.addi %select_n3A_724, %add3A_757 : vector<16xi32>
        %add3A_759 = arith.constant 2 : i32
        %add3A_760 = vector.broadcast %add3A_759 : i32 to vector<16xi32>
        %add3A_761 = arith.addi %select_n3A_726, %add3A_760 : vector<16xi32>
        %add3A_762 = arith.constant 2 : i32
        %add3A_763 = vector.broadcast %add3A_762 : i32 to vector<16xi32>
        %add3A_764 = arith.addi %select_n3A_728, %add3A_763 : vector<16xi32>
        %min3A_765 = arith.constant 191 : i32
        %min3A_766 = vector.broadcast %min3A_765 : i32 to vector<16xi32>
        %min3A_767 = arith.minsi %add3A_731, %min3A_766 : vector<16xi32>
        %min3A_768 = arith.constant 191 : i32
        %min3A_769 = vector.broadcast %min3A_768 : i32 to vector<16xi32>
        %min3A_770 = arith.minsi %add3A_734, %min3A_769 : vector<16xi32>
        %min3A_771 = arith.constant 191 : i32
        %min3A_772 = vector.broadcast %min3A_771 : i32 to vector<16xi32>
        %min3A_773 = arith.minsi %add3A_737, %min3A_772 : vector<16xi32>
        %min3A_774 = arith.constant 191 : i32
        %min3A_775 = vector.broadcast %min3A_774 : i32 to vector<16xi32>
        %min3A_776 = arith.minsi %add3A_740, %min3A_775 : vector<16xi32>
        %min3A_777 = arith.constant 191 : i32
        %min3A_778 = vector.broadcast %min3A_777 : i32 to vector<16xi32>
        %min3A_779 = arith.minsi %add3A_743, %min3A_778 : vector<16xi32>
        %min3A_780 = arith.constant 191 : i32
        %min3A_781 = vector.broadcast %min3A_780 : i32 to vector<16xi32>
        %min3A_782 = arith.minsi %add3A_746, %min3A_781 : vector<16xi32>
        %min3A_783 = arith.constant 191 : i32
        %min3A_784 = vector.broadcast %min3A_783 : i32 to vector<16xi32>
        %min3A_785 = arith.minsi %add3A_749, %min3A_784 : vector<16xi32>
        %min3A_786 = arith.constant 191 : i32
        %min3A_787 = vector.broadcast %min3A_786 : i32 to vector<16xi32>
        %min3A_788 = arith.minsi %add3A_752, %min3A_787 : vector<16xi32>
        %min3A_789 = arith.constant 191 : i32
        %min3A_790 = vector.broadcast %min3A_789 : i32 to vector<16xi32>
        %min3A_791 = arith.minsi %add3A_755, %min3A_790 : vector<16xi32>
        %min3A_792 = arith.constant 191 : i32
        %min3A_793 = vector.broadcast %min3A_792 : i32 to vector<16xi32>
        %min3A_794 = arith.minsi %add3A_758, %min3A_793 : vector<16xi32>
        %min3A_795 = arith.constant 191 : i32
        %min3A_796 = vector.broadcast %min3A_795 : i32 to vector<16xi32>
        %min3A_797 = arith.minsi %add3A_761, %min3A_796 : vector<16xi32>
        %min3A_798 = arith.constant 191 : i32
        %min3A_799 = vector.broadcast %min3A_798 : i32 to vector<16xi32>
        %min3A_800 = arith.minsi %add3A_764, %min3A_799 : vector<16xi32>
        %gather3A_801 = tpu.vector_load_idx %arg6[%broadcast_in_dim3A, %min3A_767] : memref<64x192xf32, #tpu.memory_space<vmem>>[vector<16xi32>, vector<16xi32>], vector<16xf32>,
        %gather3A_802 = tpu.vector_load_idx %arg6[%broadcast_in_dim3A, %min3A_770] : memref<64x192xf32, #tpu.memory_space<vmem>>[vector<16xi32>, vector<16xi32>], vector<16xf32>,
        %gather3A_803 = tpu.vector_load_idx %arg6[%broadcast_in_dim3A, %min3A_773] : memref<64x192xf32, #tpu.memory_space<vmem>>[vector<16xi32>, vector<16xi32>], vector<16xf32>,
        %gather3A_804 = tpu.vector_load_idx %arg6[%broadcast_in_dim3A, %min3A_776] : memref<64x192xf32, #tpu.memory_space<vmem>>[vector<16xi32>, vector<16xi32>], vector<16xf32>,
        %gather3A_805 = tpu.vector_load_idx %arg6[%broadcast_in_dim3A, %min3A_779] : memref<64x192xf32, #tpu.memory_space<vmem>>[vector<16xi32>, vector<16xi32>], vector<16xf32>,
        %gather3A_806 = tpu.vector_load_idx %arg6[%broadcast_in_dim3A, %min3A_782] : memref<64x192xf32, #tpu.memory_space<vmem>>[vector<16xi32>, vector<16xi32>], vector<16xf32>,
        %gather3A_807 = tpu.vector_load_idx %arg6[%add3A_25, %min3A_785] : memref<64x192xf32, #tpu.memory_space<vmem>>[vector<16xi32>, vector<16xi32>], vector<16xf32>,
        %gather3A_808 = tpu.vector_load_idx %arg6[%add3A_25, %min3A_788] : memref<64x192xf32, #tpu.memory_space<vmem>>[vector<16xi32>, vector<16xi32>], vector<16xf32>,
        %gather3A_809 = tpu.vector_load_idx %arg6[%add3A_25, %min3A_791] : memref<64x192xf32, #tpu.memory_space<vmem>>[vector<16xi32>, vector<16xi32>], vector<16xf32>,
        %gather3A_810 = tpu.vector_load_idx %arg6[%add3A_25, %min3A_794] : memref<64x192xf32, #tpu.memory_space<vmem>>[vector<16xi32>, vector<16xi32>], vector<16xf32>,
        %gather3A_811 = tpu.vector_load_idx %arg6[%add3A_25, %min3A_797] : memref<64x192xf32, #tpu.memory_space<vmem>>[vector<16xi32>, vector<16xi32>], vector<16xf32>,
        %gather3A_812 = tpu.vector_load_idx %arg6[%add3A_25, %min3A_800] : memref<64x192xf32, #tpu.memory_space<vmem>>[vector<16xi32>, vector<16xi32>], vector<16xf32>,
        %le3A_813 = arith.cmpf ole, %gather3A_801, %get3A_27 : vector<16xf32>
        %select_n3A_814 = arith.select %le3A_813, %add3A_731, %select_n3A_706 : vector<16xi1>, vector<16xi32>
        %le3A_815 = arith.cmpf ole, %gather3A_802, %get3A_30 : vector<16xf32>
        %select_n3A_816 = arith.select %le3A_815, %add3A_734, %select_n3A_708 : vector<16xi1>, vector<16xi32>
        %le3A_817 = arith.cmpf ole, %gather3A_803, %get3A_33 : vector<16xf32>
        %select_n3A_818 = arith.select %le3A_817, %add3A_737, %select_n3A_710 : vector<16xi1>, vector<16xi32>
        %le3A_819 = arith.cmpf ole, %gather3A_804, %get3A_36 : vector<16xf32>
        %select_n3A_820 = arith.select %le3A_819, %add3A_740, %select_n3A_712 : vector<16xi1>, vector<16xi32>
        %le3A_821 = arith.cmpf ole, %gather3A_805, %get3A_39 : vector<16xf32>
        %select_n3A_822 = arith.select %le3A_821, %add3A_743, %select_n3A_714 : vector<16xi1>, vector<16xi32>
        %le3A_823 = arith.cmpf ole, %gather3A_806, %get3A_42 : vector<16xf32>
        %select_n3A_824 = arith.select %le3A_823, %add3A_746, %select_n3A_716 : vector<16xi1>, vector<16xi32>
        %le3A_825 = arith.cmpf ole, %gather3A_807, %get3A_45 : vector<16xf32>
        %select_n3A_826 = arith.select %le3A_825, %add3A_749, %select_n3A_718 : vector<16xi1>, vector<16xi32>
        %le3A_827 = arith.cmpf ole, %gather3A_808, %get3A_48 : vector<16xf32>
        %select_n3A_828 = arith.select %le3A_827, %add3A_752, %select_n3A_720 : vector<16xi1>, vector<16xi32>
        %le3A_829 = arith.cmpf ole, %gather3A_809, %get3A_51 : vector<16xf32>
        %select_n3A_830 = arith.select %le3A_829, %add3A_755, %select_n3A_722 : vector<16xi1>, vector<16xi32>
        %le3A_831 = arith.cmpf ole, %gather3A_810, %get3A_54 : vector<16xf32>
        %select_n3A_832 = arith.select %le3A_831, %add3A_758, %select_n3A_724 : vector<16xi1>, vector<16xi32>
        %le3A_833 = arith.cmpf ole, %gather3A_811, %get3A_57 : vector<16xf32>
        %select_n3A_834 = arith.select %le3A_833, %add3A_761, %select_n3A_726 : vector<16xi1>, vector<16xi32>
        %le3A_835 = arith.cmpf ole, %gather3A_812, %get3A_60 : vector<16xf32>
        %select_n3A_836 = arith.select %le3A_835, %add3A_764, %select_n3A_728 : vector<16xi1>, vector<16xi32>
        %add3A_837 = arith.constant 1 : i32
        %add3A_838 = vector.broadcast %add3A_837 : i32 to vector<16xi32>
        %add3A_839 = arith.addi %select_n3A_814, %add3A_838 : vector<16xi32>
        %add3A_840 = arith.constant 1 : i32
        %add3A_841 = vector.broadcast %add3A_840 : i32 to vector<16xi32>
        %add3A_842 = arith.addi %select_n3A_816, %add3A_841 : vector<16xi32>
        %add3A_843 = arith.constant 1 : i32
        %add3A_844 = vector.broadcast %add3A_843 : i32 to vector<16xi32>
        %add3A_845 = arith.addi %select_n3A_818, %add3A_844 : vector<16xi32>
        %add3A_846 = arith.constant 1 : i32
        %add3A_847 = vector.broadcast %add3A_846 : i32 to vector<16xi32>
        %add3A_848 = arith.addi %select_n3A_820, %add3A_847 : vector<16xi32>
        %add3A_849 = arith.constant 1 : i32
        %add3A_850 = vector.broadcast %add3A_849 : i32 to vector<16xi32>
        %add3A_851 = arith.addi %select_n3A_822, %add3A_850 : vector<16xi32>
        %add3A_852 = arith.constant 1 : i32
        %add3A_853 = vector.broadcast %add3A_852 : i32 to vector<16xi32>
        %add3A_854 = arith.addi %select_n3A_824, %add3A_853 : vector<16xi32>
        %add3A_855 = arith.constant 1 : i32
        %add3A_856 = vector.broadcast %add3A_855 : i32 to vector<16xi32>
        %add3A_857 = arith.addi %select_n3A_826, %add3A_856 : vector<16xi32>
        %add3A_858 = arith.constant 1 : i32
        %add3A_859 = vector.broadcast %add3A_858 : i32 to vector<16xi32>
        %add3A_860 = arith.addi %select_n3A_828, %add3A_859 : vector<16xi32>
        %add3A_861 = arith.constant 1 : i32
        %add3A_862 = vector.broadcast %add3A_861 : i32 to vector<16xi32>
        %add3A_863 = arith.addi %select_n3A_830, %add3A_862 : vector<16xi32>
        %add3A_864 = arith.constant 1 : i32
        %add3A_865 = vector.broadcast %add3A_864 : i32 to vector<16xi32>
        %add3A_866 = arith.addi %select_n3A_832, %add3A_865 : vector<16xi32>
        %add3A_867 = arith.constant 1 : i32
        %add3A_868 = vector.broadcast %add3A_867 : i32 to vector<16xi32>
        %add3A_869 = arith.addi %select_n3A_834, %add3A_868 : vector<16xi32>
        %add3A_870 = arith.constant 1 : i32
        %add3A_871 = vector.broadcast %add3A_870 : i32 to vector<16xi32>
        %add3A_872 = arith.addi %select_n3A_836, %add3A_871 : vector<16xi32>
        %min3A_873 = arith.constant 191 : i32
        %min3A_874 = vector.broadcast %min3A_873 : i32 to vector<16xi32>
        %min3A_875 = arith.minsi %add3A_839, %min3A_874 : vector<16xi32>
        %min3A_876 = arith.constant 191 : i32
        %min3A_877 = vector.broadcast %min3A_876 : i32 to vector<16xi32>
        %min3A_878 = arith.minsi %add3A_842, %min3A_877 : vector<16xi32>
        %min3A_879 = arith.constant 191 : i32
        %min3A_880 = vector.broadcast %min3A_879 : i32 to vector<16xi32>
        %min3A_881 = arith.minsi %add3A_845, %min3A_880 : vector<16xi32>
        %min3A_882 = arith.constant 191 : i32
        %min3A_883 = vector.broadcast %min3A_882 : i32 to vector<16xi32>
        %min3A_884 = arith.minsi %add3A_848, %min3A_883 : vector<16xi32>
        %min3A_885 = arith.constant 191 : i32
        %min3A_886 = vector.broadcast %min3A_885 : i32 to vector<16xi32>
        %min3A_887 = arith.minsi %add3A_851, %min3A_886 : vector<16xi32>
        %min3A_888 = arith.constant 191 : i32
        %min3A_889 = vector.broadcast %min3A_888 : i32 to vector<16xi32>
        %min3A_890 = arith.minsi %add3A_854, %min3A_889 : vector<16xi32>
        %min3A_891 = arith.constant 191 : i32
        %min3A_892 = vector.broadcast %min3A_891 : i32 to vector<16xi32>
        %min3A_893 = arith.minsi %add3A_857, %min3A_892 : vector<16xi32>
        %min3A_894 = arith.constant 191 : i32
        %min3A_895 = vector.broadcast %min3A_894 : i32 to vector<16xi32>
        %min3A_896 = arith.minsi %add3A_860, %min3A_895 : vector<16xi32>
        %min3A_897 = arith.constant 191 : i32
        %min3A_898 = vector.broadcast %min3A_897 : i32 to vector<16xi32>
        %min3A_899 = arith.minsi %add3A_863, %min3A_898 : vector<16xi32>
        %min3A_900 = arith.constant 191 : i32
        %min3A_901 = vector.broadcast %min3A_900 : i32 to vector<16xi32>
        %min3A_902 = arith.minsi %add3A_866, %min3A_901 : vector<16xi32>
        %min3A_903 = arith.constant 191 : i32
        %min3A_904 = vector.broadcast %min3A_903 : i32 to vector<16xi32>
        %min3A_905 = arith.minsi %add3A_869, %min3A_904 : vector<16xi32>
        %min3A_906 = arith.constant 191 : i32
        %min3A_907 = vector.broadcast %min3A_906 : i32 to vector<16xi32>
        %min3A_908 = arith.minsi %add3A_872, %min3A_907 : vector<16xi32>
        %gather3A_909 = tpu.vector_load_idx %arg6[%broadcast_in_dim3A, %min3A_875] : memref<64x192xf32, #tpu.memory_space<vmem>>[vector<16xi32>, vector<16xi32>], vector<16xf32>,
        %gather3A_910 = tpu.vector_load_idx %arg6[%broadcast_in_dim3A, %min3A_878] : memref<64x192xf32, #tpu.memory_space<vmem>>[vector<16xi32>, vector<16xi32>], vector<16xf32>,
        %gather3A_911 = tpu.vector_load_idx %arg6[%broadcast_in_dim3A, %min3A_881] : memref<64x192xf32, #tpu.memory_space<vmem>>[vector<16xi32>, vector<16xi32>], vector<16xf32>,
        %gather3A_912 = tpu.vector_load_idx %arg6[%broadcast_in_dim3A, %min3A_884] : memref<64x192xf32, #tpu.memory_space<vmem>>[vector<16xi32>, vector<16xi32>], vector<16xf32>,
        %gather3A_913 = tpu.vector_load_idx %arg6[%broadcast_in_dim3A, %min3A_887] : memref<64x192xf32, #tpu.memory_space<vmem>>[vector<16xi32>, vector<16xi32>], vector<16xf32>,
        %gather3A_914 = tpu.vector_load_idx %arg6[%broadcast_in_dim3A, %min3A_890] : memref<64x192xf32, #tpu.memory_space<vmem>>[vector<16xi32>, vector<16xi32>], vector<16xf32>,
        %gather3A_915 = tpu.vector_load_idx %arg6[%add3A_25, %min3A_893] : memref<64x192xf32, #tpu.memory_space<vmem>>[vector<16xi32>, vector<16xi32>], vector<16xf32>,
        %gather3A_916 = tpu.vector_load_idx %arg6[%add3A_25, %min3A_896] : memref<64x192xf32, #tpu.memory_space<vmem>>[vector<16xi32>, vector<16xi32>], vector<16xf32>,
        %gather3A_917 = tpu.vector_load_idx %arg6[%add3A_25, %min3A_899] : memref<64x192xf32, #tpu.memory_space<vmem>>[vector<16xi32>, vector<16xi32>], vector<16xf32>,
        %gather3A_918 = tpu.vector_load_idx %arg6[%add3A_25, %min3A_902] : memref<64x192xf32, #tpu.memory_space<vmem>>[vector<16xi32>, vector<16xi32>], vector<16xf32>,
        %gather3A_919 = tpu.vector_load_idx %arg6[%add3A_25, %min3A_905] : memref<64x192xf32, #tpu.memory_space<vmem>>[vector<16xi32>, vector<16xi32>], vector<16xf32>,
        %gather3A_920 = tpu.vector_load_idx %arg6[%add3A_25, %min3A_908] : memref<64x192xf32, #tpu.memory_space<vmem>>[vector<16xi32>, vector<16xi32>], vector<16xf32>,
        %le3A_921 = arith.cmpf ole, %gather3A_909, %get3A_27 : vector<16xf32>
        %select_n3A_922 = arith.select %le3A_921, %add3A_839, %select_n3A_814 : vector<16xi1>, vector<16xi32>
        %le3A_923 = arith.cmpf ole, %gather3A_910, %get3A_30 : vector<16xf32>
        %select_n3A_924 = arith.select %le3A_923, %add3A_842, %select_n3A_816 : vector<16xi1>, vector<16xi32>
        %le3A_925 = arith.cmpf ole, %gather3A_911, %get3A_33 : vector<16xf32>
        %select_n3A_926 = arith.select %le3A_925, %add3A_845, %select_n3A_818 : vector<16xi1>, vector<16xi32>
        %le3A_927 = arith.cmpf ole, %gather3A_912, %get3A_36 : vector<16xf32>
        %select_n3A_928 = arith.select %le3A_927, %add3A_848, %select_n3A_820 : vector<16xi1>, vector<16xi32>
        %le3A_929 = arith.cmpf ole, %gather3A_913, %get3A_39 : vector<16xf32>
        %select_n3A_930 = arith.select %le3A_929, %add3A_851, %select_n3A_822 : vector<16xi1>, vector<16xi32>
        %le3A_931 = arith.cmpf ole, %gather3A_914, %get3A_42 : vector<16xf32>
        %select_n3A_932 = arith.select %le3A_931, %add3A_854, %select_n3A_824 : vector<16xi1>, vector<16xi32>
        %le3A_933 = arith.cmpf ole, %gather3A_915, %get3A_45 : vector<16xf32>
        %select_n3A_934 = arith.select %le3A_933, %add3A_857, %select_n3A_826 : vector<16xi1>, vector<16xi32>
        %le3A_935 = arith.cmpf ole, %gather3A_916, %get3A_48 : vector<16xf32>
        %select_n3A_936 = arith.select %le3A_935, %add3A_860, %select_n3A_828 : vector<16xi1>, vector<16xi32>
        %le3A_937 = arith.cmpf ole, %gather3A_917, %get3A_51 : vector<16xf32>
        %select_n3A_938 = arith.select %le3A_937, %add3A_863, %select_n3A_830 : vector<16xi1>, vector<16xi32>
        %le3A_939 = arith.cmpf ole, %gather3A_918, %get3A_54 : vector<16xf32>
        %select_n3A_940 = arith.select %le3A_939, %add3A_866, %select_n3A_832 : vector<16xi1>, vector<16xi32>
        %le3A_941 = arith.cmpf ole, %gather3A_919, %get3A_57 : vector<16xf32>
        %select_n3A_942 = arith.select %le3A_941, %add3A_869, %select_n3A_834 : vector<16xi1>, vector<16xi32>
        %le3A_943 = arith.cmpf ole, %gather3A_920, %get3A_60 : vector<16xf32>
        %select_n3A_944 = arith.select %le3A_943, %add3A_872, %select_n3A_836 : vector<16xi1>, vector<16xi32>
        %add3A_945 = arith.constant 1 : i32
        %add3A_946 = vector.broadcast %add3A_945 : i32 to vector<16xi32>
        %add3A_947 = arith.addi %select_n3A_922, %add3A_946 : vector<16xi32>
        %min3A_948 = arith.constant 191 : i32
        %min3A_949 = vector.broadcast %min3A_948 : i32 to vector<16xi32>
        %min3A_950 = arith.minsi %add3A_947, %min3A_949 : vector<16xi32>
        %add3A_951 = arith.constant 1 : i32
        %add3A_952 = vector.broadcast %add3A_951 : i32 to vector<16xi32>
        %add3A_953 = arith.addi %select_n3A_924, %add3A_952 : vector<16xi32>
        %min3A_954 = arith.constant 191 : i32
        %min3A_955 = vector.broadcast %min3A_954 : i32 to vector<16xi32>
        %min3A_956 = arith.minsi %add3A_953, %min3A_955 : vector<16xi32>
        %add3A_957 = arith.constant 1 : i32
        %add3A_958 = vector.broadcast %add3A_957 : i32 to vector<16xi32>
        %add3A_959 = arith.addi %select_n3A_926, %add3A_958 : vector<16xi32>
        %min3A_960 = arith.constant 191 : i32
        %min3A_961 = vector.broadcast %min3A_960 : i32 to vector<16xi32>
        %min3A_962 = arith.minsi %add3A_959, %min3A_961 : vector<16xi32>
        %add3A_963 = arith.constant 1 : i32
        %add3A_964 = vector.broadcast %add3A_963 : i32 to vector<16xi32>
        %add3A_965 = arith.addi %select_n3A_928, %add3A_964 : vector<16xi32>
        %min3A_966 = arith.constant 191 : i32
        %min3A_967 = vector.broadcast %min3A_966 : i32 to vector<16xi32>
        %min3A_968 = arith.minsi %add3A_965, %min3A_967 : vector<16xi32>
        %add3A_969 = arith.constant 1 : i32
        %add3A_970 = vector.broadcast %add3A_969 : i32 to vector<16xi32>
        %add3A_971 = arith.addi %select_n3A_930, %add3A_970 : vector<16xi32>
        %min3A_972 = arith.constant 191 : i32
        %min3A_973 = vector.broadcast %min3A_972 : i32 to vector<16xi32>
        %min3A_974 = arith.minsi %add3A_971, %min3A_973 : vector<16xi32>
        %add3A_975 = arith.constant 1 : i32
        %add3A_976 = vector.broadcast %add3A_975 : i32 to vector<16xi32>
        %add3A_977 = arith.addi %select_n3A_932, %add3A_976 : vector<16xi32>
        %min3A_978 = arith.constant 191 : i32
        %min3A_979 = vector.broadcast %min3A_978 : i32 to vector<16xi32>
        %min3A_980 = arith.minsi %add3A_977, %min3A_979 : vector<16xi32>
        %add3A_981 = arith.constant 1 : i32
        %add3A_982 = vector.broadcast %add3A_981 : i32 to vector<16xi32>
        %add3A_983 = arith.addi %select_n3A_934, %add3A_982 : vector<16xi32>
        %min3A_984 = arith.constant 191 : i32
        %min3A_985 = vector.broadcast %min3A_984 : i32 to vector<16xi32>
        %min3A_986 = arith.minsi %add3A_983, %min3A_985 : vector<16xi32>
        %add3A_987 = arith.constant 1 : i32
        %add3A_988 = vector.broadcast %add3A_987 : i32 to vector<16xi32>
        %add3A_989 = arith.addi %select_n3A_936, %add3A_988 : vector<16xi32>
        %min3A_990 = arith.constant 191 : i32
        %min3A_991 = vector.broadcast %min3A_990 : i32 to vector<16xi32>
        %min3A_992 = arith.minsi %add3A_989, %min3A_991 : vector<16xi32>
        %add3A_993 = arith.constant 1 : i32
        %add3A_994 = vector.broadcast %add3A_993 : i32 to vector<16xi32>
        %add3A_995 = arith.addi %select_n3A_938, %add3A_994 : vector<16xi32>
        %min3A_996 = arith.constant 191 : i32
        %min3A_997 = vector.broadcast %min3A_996 : i32 to vector<16xi32>
        %min3A_998 = arith.minsi %add3A_995, %min3A_997 : vector<16xi32>
        %add3A_999 = arith.constant 1 : i32
        %add3A_1000 = vector.broadcast %add3A_999 : i32 to vector<16xi32>
        %add3A_1001 = arith.addi %select_n3A_940, %add3A_1000 : vector<16xi32>
        %min3A_1002 = arith.constant 191 : i32
        %min3A_1003 = vector.broadcast %min3A_1002 : i32 to vector<16xi32>
        %min3A_1004 = arith.minsi %add3A_1001, %min3A_1003 : vector<16xi32>
        %add3A_1005 = arith.constant 1 : i32
        %add3A_1006 = vector.broadcast %add3A_1005 : i32 to vector<16xi32>
        %add3A_1007 = arith.addi %select_n3A_942, %add3A_1006 : vector<16xi32>
        %min3A_1008 = arith.constant 191 : i32
        %min3A_1009 = vector.broadcast %min3A_1008 : i32 to vector<16xi32>
        %min3A_1010 = arith.minsi %add3A_1007, %min3A_1009 : vector<16xi32>
        %add3A_1011 = arith.constant 1 : i32
        %add3A_1012 = vector.broadcast %add3A_1011 : i32 to vector<16xi32>
        %add3A_1013 = arith.addi %select_n3A_944, %add3A_1012 : vector<16xi32>
        %min3A_1014 = arith.constant 191 : i32
        %min3A_1015 = vector.broadcast %min3A_1014 : i32 to vector<16xi32>
        %min3A_1016 = arith.minsi %add3A_1013, %min3A_1015 : vector<16xi32>
        %min3A_1017 = arith.constant 190 : i32
        %min3A_1018 = vector.broadcast %min3A_1017 : i32 to vector<16xi32>
        %min3A_1019 = arith.minsi %select_n3A_922, %min3A_1018 : vector<16xi32>
        %min3A_1020 = arith.constant 190 : i32
        %min3A_1021 = vector.broadcast %min3A_1020 : i32 to vector<16xi32>
        %min3A_1022 = arith.minsi %select_n3A_924, %min3A_1021 : vector<16xi32>
        %min3A_1023 = arith.constant 190 : i32
        %min3A_1024 = vector.broadcast %min3A_1023 : i32 to vector<16xi32>
        %min3A_1025 = arith.minsi %select_n3A_926, %min3A_1024 : vector<16xi32>
        %min3A_1026 = arith.constant 190 : i32
        %min3A_1027 = vector.broadcast %min3A_1026 : i32 to vector<16xi32>
        %min3A_1028 = arith.minsi %select_n3A_928, %min3A_1027 : vector<16xi32>
        %min3A_1029 = arith.constant 190 : i32
        %min3A_1030 = vector.broadcast %min3A_1029 : i32 to vector<16xi32>
        %min3A_1031 = arith.minsi %select_n3A_930, %min3A_1030 : vector<16xi32>
        %min3A_1032 = arith.constant 190 : i32
        %min3A_1033 = vector.broadcast %min3A_1032 : i32 to vector<16xi32>
        %min3A_1034 = arith.minsi %select_n3A_932, %min3A_1033 : vector<16xi32>
        %min3A_1035 = arith.constant 190 : i32
        %min3A_1036 = vector.broadcast %min3A_1035 : i32 to vector<16xi32>
        %min3A_1037 = arith.minsi %select_n3A_934, %min3A_1036 : vector<16xi32>
        %min3A_1038 = arith.constant 190 : i32
        %min3A_1039 = vector.broadcast %min3A_1038 : i32 to vector<16xi32>
        %min3A_1040 = arith.minsi %select_n3A_936, %min3A_1039 : vector<16xi32>
        %min3A_1041 = arith.constant 190 : i32
        %min3A_1042 = vector.broadcast %min3A_1041 : i32 to vector<16xi32>
        %min3A_1043 = arith.minsi %select_n3A_938, %min3A_1042 : vector<16xi32>
        %min3A_1044 = arith.constant 190 : i32
        %min3A_1045 = vector.broadcast %min3A_1044 : i32 to vector<16xi32>
        %min3A_1046 = arith.minsi %select_n3A_940, %min3A_1045 : vector<16xi32>
        %min3A_1047 = arith.constant 190 : i32
        %min3A_1048 = vector.broadcast %min3A_1047 : i32 to vector<16xi32>
        %min3A_1049 = arith.minsi %select_n3A_942, %min3A_1048 : vector<16xi32>
        %min3A_1050 = arith.constant 190 : i32
        %min3A_1051 = vector.broadcast %min3A_1050 : i32 to vector<16xi32>
        %min3A_1052 = arith.minsi %select_n3A_944, %min3A_1051 : vector<16xi32>
        %gather3A_1053 = tpu.vector_load_idx %arg6[%broadcast_in_dim3A, %select_n3A_922] : memref<64x192xf32, #tpu.memory_space<vmem>>[vector<16xi32>, vector<16xi32>], vector<16xf32>,
        %gather3A_1054 = tpu.vector_load_idx %arg6[%broadcast_in_dim3A, %select_n3A_924] : memref<64x192xf32, #tpu.memory_space<vmem>>[vector<16xi32>, vector<16xi32>], vector<16xf32>,
        %gather3A_1055 = tpu.vector_load_idx %arg6[%broadcast_in_dim3A, %select_n3A_926] : memref<64x192xf32, #tpu.memory_space<vmem>>[vector<16xi32>, vector<16xi32>], vector<16xf32>,
        %gather3A_1056 = tpu.vector_load_idx %arg6[%broadcast_in_dim3A, %select_n3A_928] : memref<64x192xf32, #tpu.memory_space<vmem>>[vector<16xi32>, vector<16xi32>], vector<16xf32>,
        %gather3A_1057 = tpu.vector_load_idx %arg6[%broadcast_in_dim3A, %select_n3A_930] : memref<64x192xf32, #tpu.memory_space<vmem>>[vector<16xi32>, vector<16xi32>], vector<16xf32>,
        %gather3A_1058 = tpu.vector_load_idx %arg6[%broadcast_in_dim3A, %select_n3A_932] : memref<64x192xf32, #tpu.memory_space<vmem>>[vector<16xi32>, vector<16xi32>], vector<16xf32>,
        %gather3A_1059 = tpu.vector_load_idx %arg6[%add3A_25, %select_n3A_934] : memref<64x192xf32, #tpu.memory_space<vmem>>[vector<16xi32>, vector<16xi32>], vector<16xf32>,
        %gather3A_1060 = tpu.vector_load_idx %arg6[%add3A_25, %select_n3A_936] : memref<64x192xf32, #tpu.memory_space<vmem>>[vector<16xi32>, vector<16xi32>], vector<16xf32>,
        %gather3A_1061 = tpu.vector_load_idx %arg6[%add3A_25, %select_n3A_938] : memref<64x192xf32, #tpu.memory_space<vmem>>[vector<16xi32>, vector<16xi32>], vector<16xf32>,
        %gather3A_1062 = tpu.vector_load_idx %arg6[%add3A_25, %select_n3A_940] : memref<64x192xf32, #tpu.memory_space<vmem>>[vector<16xi32>, vector<16xi32>], vector<16xf32>,
        %gather3A_1063 = tpu.vector_load_idx %arg6[%add3A_25, %select_n3A_942] : memref<64x192xf32, #tpu.memory_space<vmem>>[vector<16xi32>, vector<16xi32>], vector<16xf32>,
        %gather3A_1064 = tpu.vector_load_idx %arg6[%add3A_25, %select_n3A_944] : memref<64x192xf32, #tpu.memory_space<vmem>>[vector<16xi32>, vector<16xi32>], vector<16xf32>,
        %gather3A_1065 = tpu.vector_load_idx %arg6[%broadcast_in_dim3A, %min3A_950] : memref<64x192xf32, #tpu.memory_space<vmem>>[vector<16xi32>, vector<16xi32>], vector<16xf32>,
        %gather3A_1066 = tpu.vector_load_idx %arg6[%broadcast_in_dim3A, %min3A_956] : memref<64x192xf32, #tpu.memory_space<vmem>>[vector<16xi32>, vector<16xi32>], vector<16xf32>,
        %gather3A_1067 = tpu.vector_load_idx %arg6[%broadcast_in_dim3A, %min3A_962] : memref<64x192xf32, #tpu.memory_space<vmem>>[vector<16xi32>, vector<16xi32>], vector<16xf32>,
        %gather3A_1068 = tpu.vector_load_idx %arg6[%broadcast_in_dim3A, %min3A_968] : memref<64x192xf32, #tpu.memory_space<vmem>>[vector<16xi32>, vector<16xi32>], vector<16xf32>,
        %gather3A_1069 = tpu.vector_load_idx %arg6[%broadcast_in_dim3A, %min3A_974] : memref<64x192xf32, #tpu.memory_space<vmem>>[vector<16xi32>, vector<16xi32>], vector<16xf32>,
        %gather3A_1070 = tpu.vector_load_idx %arg6[%broadcast_in_dim3A, %min3A_980] : memref<64x192xf32, #tpu.memory_space<vmem>>[vector<16xi32>, vector<16xi32>], vector<16xf32>,
        %gather3A_1071 = tpu.vector_load_idx %arg6[%add3A_25, %min3A_986] : memref<64x192xf32, #tpu.memory_space<vmem>>[vector<16xi32>, vector<16xi32>], vector<16xf32>,
        %gather3A_1072 = tpu.vector_load_idx %arg6[%add3A_25, %min3A_992] : memref<64x192xf32, #tpu.memory_space<vmem>>[vector<16xi32>, vector<16xi32>], vector<16xf32>,
        %gather3A_1073 = tpu.vector_load_idx %arg6[%add3A_25, %min3A_998] : memref<64x192xf32, #tpu.memory_space<vmem>>[vector<16xi32>, vector<16xi32>], vector<16xf32>,
        %gather3A_1074 = tpu.vector_load_idx %arg6[%add3A_25, %min3A_1004] : memref<64x192xf32, #tpu.memory_space<vmem>>[vector<16xi32>, vector<16xi32>], vector<16xf32>,
        %gather3A_1075 = tpu.vector_load_idx %arg6[%add3A_25, %min3A_1010] : memref<64x192xf32, #tpu.memory_space<vmem>>[vector<16xi32>, vector<16xi32>], vector<16xf32>,
        %gather3A_1076 = tpu.vector_load_idx %arg6[%add3A_25, %min3A_1016] : memref<64x192xf32, #tpu.memory_space<vmem>>[vector<16xi32>, vector<16xi32>], vector<16xf32>,
        %sub3A = arith.constant 1 : i32
        %sub3A_1077 = vector.broadcast %sub3A : i32 to vector<16xi32>
        %sub3A_1078 = arith.subi %select_n3A_922, %sub3A_1077 : vector<16xi32>
        %gather3A_1079 = tpu.vector_load_idx %arg7[%broadcast_in_dim3A, %sub3A_1078] : memref<64x192xf32, #tpu.memory_space<vmem>>[vector<16xi32>, vector<16xi32>], vector<16xf32>,
        %sub3A_1080 = arith.constant 1 : i32
        %sub3A_1081 = vector.broadcast %sub3A_1080 : i32 to vector<16xi32>
        %sub3A_1082 = arith.subi %select_n3A_924, %sub3A_1081 : vector<16xi32>
        %gather3A_1083 = tpu.vector_load_idx %arg7[%broadcast_in_dim3A, %sub3A_1082] : memref<64x192xf32, #tpu.memory_space<vmem>>[vector<16xi32>, vector<16xi32>], vector<16xf32>,
        %sub3A_1084 = arith.constant 1 : i32
        %sub3A_1085 = vector.broadcast %sub3A_1084 : i32 to vector<16xi32>
        %sub3A_1086 = arith.subi %select_n3A_926, %sub3A_1085 : vector<16xi32>
        %gather3A_1087 = tpu.vector_load_idx %arg7[%broadcast_in_dim3A, %sub3A_1086] : memref<64x192xf32, #tpu.memory_space<vmem>>[vector<16xi32>, vector<16xi32>], vector<16xf32>,
        %sub3A_1088 = arith.constant 1 : i32
        %sub3A_1089 = vector.broadcast %sub3A_1088 : i32 to vector<16xi32>
        %sub3A_1090 = arith.subi %select_n3A_928, %sub3A_1089 : vector<16xi32>
        %gather3A_1091 = tpu.vector_load_idx %arg7[%broadcast_in_dim3A, %sub3A_1090] : memref<64x192xf32, #tpu.memory_space<vmem>>[vector<16xi32>, vector<16xi32>], vector<16xf32>,
        %sub3A_1092 = arith.constant 1 : i32
        %sub3A_1093 = vector.broadcast %sub3A_1092 : i32 to vector<16xi32>
        %sub3A_1094 = arith.subi %select_n3A_930, %sub3A_1093 : vector<16xi32>
        %gather3A_1095 = tpu.vector_load_idx %arg7[%broadcast_in_dim3A, %sub3A_1094] : memref<64x192xf32, #tpu.memory_space<vmem>>[vector<16xi32>, vector<16xi32>], vector<16xf32>,
        %sub3A_1096 = arith.constant 1 : i32
        %sub3A_1097 = vector.broadcast %sub3A_1096 : i32 to vector<16xi32>
        %sub3A_1098 = arith.subi %select_n3A_932, %sub3A_1097 : vector<16xi32>
        %gather3A_1099 = tpu.vector_load_idx %arg7[%broadcast_in_dim3A, %sub3A_1098] : memref<64x192xf32, #tpu.memory_space<vmem>>[vector<16xi32>, vector<16xi32>], vector<16xf32>,
        %sub3A_1100 = arith.constant 1 : i32
        %sub3A_1101 = vector.broadcast %sub3A_1100 : i32 to vector<16xi32>
        %sub3A_1102 = arith.subi %select_n3A_934, %sub3A_1101 : vector<16xi32>
        %gather3A_1103 = tpu.vector_load_idx %arg7[%add3A_25, %sub3A_1102] : memref<64x192xf32, #tpu.memory_space<vmem>>[vector<16xi32>, vector<16xi32>], vector<16xf32>,
        %sub3A_1104 = arith.constant 1 : i32
        %sub3A_1105 = vector.broadcast %sub3A_1104 : i32 to vector<16xi32>
        %sub3A_1106 = arith.subi %select_n3A_936, %sub3A_1105 : vector<16xi32>
        %gather3A_1107 = tpu.vector_load_idx %arg7[%add3A_25, %sub3A_1106] : memref<64x192xf32, #tpu.memory_space<vmem>>[vector<16xi32>, vector<16xi32>], vector<16xf32>,
        %sub3A_1108 = arith.constant 1 : i32
        %sub3A_1109 = vector.broadcast %sub3A_1108 : i32 to vector<16xi32>
        %sub3A_1110 = arith.subi %select_n3A_938, %sub3A_1109 : vector<16xi32>
        %gather3A_1111 = tpu.vector_load_idx %arg7[%add3A_25, %sub3A_1110] : memref<64x192xf32, #tpu.memory_space<vmem>>[vector<16xi32>, vector<16xi32>], vector<16xf32>,
        %sub3A_1112 = arith.constant 1 : i32
        %sub3A_1113 = vector.broadcast %sub3A_1112 : i32 to vector<16xi32>
        %sub3A_1114 = arith.subi %select_n3A_940, %sub3A_1113 : vector<16xi32>
        %gather3A_1115 = tpu.vector_load_idx %arg7[%add3A_25, %sub3A_1114] : memref<64x192xf32, #tpu.memory_space<vmem>>[vector<16xi32>, vector<16xi32>], vector<16xf32>,
        %sub3A_1116 = arith.constant 1 : i32
        %sub3A_1117 = vector.broadcast %sub3A_1116 : i32 to vector<16xi32>
        %sub3A_1118 = arith.subi %select_n3A_942, %sub3A_1117 : vector<16xi32>
        %gather3A_1119 = tpu.vector_load_idx %arg7[%add3A_25, %sub3A_1118] : memref<64x192xf32, #tpu.memory_space<vmem>>[vector<16xi32>, vector<16xi32>], vector<16xf32>,
        %sub3A_1120 = arith.constant 1 : i32
        %sub3A_1121 = vector.broadcast %sub3A_1120 : i32 to vector<16xi32>
        %sub3A_1122 = arith.subi %select_n3A_944, %sub3A_1121 : vector<16xi32>
        %gather3A_1123 = tpu.vector_load_idx %arg7[%add3A_25, %sub3A_1122] : memref<64x192xf32, #tpu.memory_space<vmem>>[vector<16xi32>, vector<16xi32>], vector<16xf32>,
        %gather3A_1124 = tpu.vector_load_idx %arg7[%broadcast_in_dim3A, %select_n3A_922] : memref<64x192xf32, #tpu.memory_space<vmem>>[vector<16xi32>, vector<16xi32>], vector<16xf32>,
        %gather3A_1125 = tpu.vector_load_idx %arg7[%broadcast_in_dim3A, %select_n3A_924] : memref<64x192xf32, #tpu.memory_space<vmem>>[vector<16xi32>, vector<16xi32>], vector<16xf32>,
        %gather3A_1126 = tpu.vector_load_idx %arg7[%broadcast_in_dim3A, %select_n3A_926] : memref<64x192xf32, #tpu.memory_space<vmem>>[vector<16xi32>, vector<16xi32>], vector<16xf32>,
        %gather3A_1127 = tpu.vector_load_idx %arg7[%broadcast_in_dim3A, %select_n3A_928] : memref<64x192xf32, #tpu.memory_space<vmem>>[vector<16xi32>, vector<16xi32>], vector<16xf32>,
        %gather3A_1128 = tpu.vector_load_idx %arg7[%broadcast_in_dim3A, %select_n3A_930] : memref<64x192xf32, #tpu.memory_space<vmem>>[vector<16xi32>, vector<16xi32>], vector<16xf32>,
        %gather3A_1129 = tpu.vector_load_idx %arg7[%broadcast_in_dim3A, %select_n3A_932] : memref<64x192xf32, #tpu.memory_space<vmem>>[vector<16xi32>, vector<16xi32>], vector<16xf32>,
        %gather3A_1130 = tpu.vector_load_idx %arg7[%add3A_25, %select_n3A_934] : memref<64x192xf32, #tpu.memory_space<vmem>>[vector<16xi32>, vector<16xi32>], vector<16xf32>,
        %gather3A_1131 = tpu.vector_load_idx %arg7[%add3A_25, %select_n3A_936] : memref<64x192xf32, #tpu.memory_space<vmem>>[vector<16xi32>, vector<16xi32>], vector<16xf32>,
        %gather3A_1132 = tpu.vector_load_idx %arg7[%add3A_25, %select_n3A_938] : memref<64x192xf32, #tpu.memory_space<vmem>>[vector<16xi32>, vector<16xi32>], vector<16xf32>,
        %gather3A_1133 = tpu.vector_load_idx %arg7[%add3A_25, %select_n3A_940] : memref<64x192xf32, #tpu.memory_space<vmem>>[vector<16xi32>, vector<16xi32>], vector<16xf32>,
        %gather3A_1134 = tpu.vector_load_idx %arg7[%add3A_25, %select_n3A_942] : memref<64x192xf32, #tpu.memory_space<vmem>>[vector<16xi32>, vector<16xi32>], vector<16xf32>,
        %gather3A_1135 = tpu.vector_load_idx %arg7[%add3A_25, %select_n3A_944] : memref<64x192xf32, #tpu.memory_space<vmem>>[vector<16xi32>, vector<16xi32>], vector<16xf32>,
        %gather3A_1136 = tpu.vector_load_idx %arg7[%broadcast_in_dim3A, %min3A_1019] : memref<64x192xf32, #tpu.memory_space<vmem>>[vector<16xi32>, vector<16xi32>], vector<16xf32>,
        %gather3A_1137 = tpu.vector_load_idx %arg7[%broadcast_in_dim3A, %min3A_1022] : memref<64x192xf32, #tpu.memory_space<vmem>>[vector<16xi32>, vector<16xi32>], vector<16xf32>,
        %gather3A_1138 = tpu.vector_load_idx %arg7[%broadcast_in_dim3A, %min3A_1025] : memref<64x192xf32, #tpu.memory_space<vmem>>[vector<16xi32>, vector<16xi32>], vector<16xf32>,
        %gather3A_1139 = tpu.vector_load_idx %arg7[%broadcast_in_dim3A, %min3A_1028] : memref<64x192xf32, #tpu.memory_space<vmem>>[vector<16xi32>, vector<16xi32>], vector<16xf32>,
        %gather3A_1140 = tpu.vector_load_idx %arg7[%broadcast_in_dim3A, %min3A_1031] : memref<64x192xf32, #tpu.memory_space<vmem>>[vector<16xi32>, vector<16xi32>], vector<16xf32>,
        %gather3A_1141 = tpu.vector_load_idx %arg7[%broadcast_in_dim3A, %min3A_1034] : memref<64x192xf32, #tpu.memory_space<vmem>>[vector<16xi32>, vector<16xi32>], vector<16xf32>,
        %gather3A_1142 = tpu.vector_load_idx %arg7[%add3A_25, %min3A_1037] : memref<64x192xf32, #tpu.memory_space<vmem>>[vector<16xi32>, vector<16xi32>], vector<16xf32>,
        %gather3A_1143 = tpu.vector_load_idx %arg7[%add3A_25, %min3A_1040] : memref<64x192xf32, #tpu.memory_space<vmem>>[vector<16xi32>, vector<16xi32>], vector<16xf32>,
        %gather3A_1144 = tpu.vector_load_idx %arg7[%add3A_25, %min3A_1043] : memref<64x192xf32, #tpu.memory_space<vmem>>[vector<16xi32>, vector<16xi32>], vector<16xf32>,
        %gather3A_1145 = tpu.vector_load_idx %arg7[%add3A_25, %min3A_1046] : memref<64x192xf32, #tpu.memory_space<vmem>>[vector<16xi32>, vector<16xi32>], vector<16xf32>,
        %gather3A_1146 = tpu.vector_load_idx %arg7[%add3A_25, %min3A_1049] : memref<64x192xf32, #tpu.memory_space<vmem>>[vector<16xi32>, vector<16xi32>], vector<16xf32>,
        %gather3A_1147 = tpu.vector_load_idx %arg7[%add3A_25, %min3A_1052] : memref<64x192xf32, #tpu.memory_space<vmem>>[vector<16xi32>, vector<16xi32>], vector<16xf32>,
        %add3A_1148 = arith.constant 1 : i32
        %add3A_1149 = vector.broadcast %add3A_1148 : i32 to vector<16xi32>
        %add3A_1150 = arith.addi %min3A_1019, %add3A_1149 : vector<16xi32>
        %gather3A_1151 = tpu.vector_load_idx %arg7[%broadcast_in_dim3A, %add3A_1150] : memref<64x192xf32, #tpu.memory_space<vmem>>[vector<16xi32>, vector<16xi32>], vector<16xf32>,
        %add3A_1152 = arith.constant 1 : i32
        %add3A_1153 = vector.broadcast %add3A_1152 : i32 to vector<16xi32>
        %add3A_1154 = arith.addi %min3A_1022, %add3A_1153 : vector<16xi32>
        %gather3A_1155 = tpu.vector_load_idx %arg7[%broadcast_in_dim3A, %add3A_1154] : memref<64x192xf32, #tpu.memory_space<vmem>>[vector<16xi32>, vector<16xi32>], vector<16xf32>,
        %add3A_1156 = arith.constant 1 : i32
        %add3A_1157 = vector.broadcast %add3A_1156 : i32 to vector<16xi32>
        %add3A_1158 = arith.addi %min3A_1025, %add3A_1157 : vector<16xi32>
        %gather3A_1159 = tpu.vector_load_idx %arg7[%broadcast_in_dim3A, %add3A_1158] : memref<64x192xf32, #tpu.memory_space<vmem>>[vector<16xi32>, vector<16xi32>], vector<16xf32>,
        %add3A_1160 = arith.constant 1 : i32
        %add3A_1161 = vector.broadcast %add3A_1160 : i32 to vector<16xi32>
        %add3A_1162 = arith.addi %min3A_1028, %add3A_1161 : vector<16xi32>
        %gather3A_1163 = tpu.vector_load_idx %arg7[%broadcast_in_dim3A, %add3A_1162] : memref<64x192xf32, #tpu.memory_space<vmem>>[vector<16xi32>, vector<16xi32>], vector<16xf32>,
        %add3A_1164 = arith.constant 1 : i32
        %add3A_1165 = vector.broadcast %add3A_1164 : i32 to vector<16xi32>
        %add3A_1166 = arith.addi %min3A_1031, %add3A_1165 : vector<16xi32>
        %gather3A_1167 = tpu.vector_load_idx %arg7[%broadcast_in_dim3A, %add3A_1166] : memref<64x192xf32, #tpu.memory_space<vmem>>[vector<16xi32>, vector<16xi32>], vector<16xf32>,
        %add3A_1168 = arith.constant 1 : i32
        %add3A_1169 = vector.broadcast %add3A_1168 : i32 to vector<16xi32>
        %add3A_1170 = arith.addi %min3A_1034, %add3A_1169 : vector<16xi32>
        %gather3A_1171 = tpu.vector_load_idx %arg7[%broadcast_in_dim3A, %add3A_1170] : memref<64x192xf32, #tpu.memory_space<vmem>>[vector<16xi32>, vector<16xi32>], vector<16xf32>,
        %add3A_1172 = arith.constant 1 : i32
        %add3A_1173 = vector.broadcast %add3A_1172 : i32 to vector<16xi32>
        %add3A_1174 = arith.addi %min3A_1037, %add3A_1173 : vector<16xi32>
        %gather3A_1175 = tpu.vector_load_idx %arg7[%add3A_25, %add3A_1174] : memref<64x192xf32, #tpu.memory_space<vmem>>[vector<16xi32>, vector<16xi32>], vector<16xf32>,
        %add3A_1176 = arith.constant 1 : i32
        %add3A_1177 = vector.broadcast %add3A_1176 : i32 to vector<16xi32>
        %add3A_1178 = arith.addi %min3A_1040, %add3A_1177 : vector<16xi32>
        %gather3A_1179 = tpu.vector_load_idx %arg7[%add3A_25, %add3A_1178] : memref<64x192xf32, #tpu.memory_space<vmem>>[vector<16xi32>, vector<16xi32>], vector<16xf32>,
        %add3A_1180 = arith.constant 1 : i32
        %add3A_1181 = vector.broadcast %add3A_1180 : i32 to vector<16xi32>
        %add3A_1182 = arith.addi %min3A_1043, %add3A_1181 : vector<16xi32>
        %gather3A_1183 = tpu.vector_load_idx %arg7[%add3A_25, %add3A_1182] : memref<64x192xf32, #tpu.memory_space<vmem>>[vector<16xi32>, vector<16xi32>], vector<16xf32>,
        %add3A_1184 = arith.constant 1 : i32
        %add3A_1185 = vector.broadcast %add3A_1184 : i32 to vector<16xi32>
        %add3A_1186 = arith.addi %min3A_1046, %add3A_1185 : vector<16xi32>
        %gather3A_1187 = tpu.vector_load_idx %arg7[%add3A_25, %add3A_1186] : memref<64x192xf32, #tpu.memory_space<vmem>>[vector<16xi32>, vector<16xi32>], vector<16xf32>,
        %add3A_1188 = arith.constant 1 : i32
        %add3A_1189 = vector.broadcast %add3A_1188 : i32 to vector<16xi32>
        %add3A_1190 = arith.addi %min3A_1049, %add3A_1189 : vector<16xi32>
        %gather3A_1191 = tpu.vector_load_idx %arg7[%add3A_25, %add3A_1190] : memref<64x192xf32, #tpu.memory_space<vmem>>[vector<16xi32>, vector<16xi32>], vector<16xf32>,
        %add3A_1192 = arith.constant 1 : i32
        %add3A_1193 = vector.broadcast %add3A_1192 : i32 to vector<16xi32>
        %add3A_1194 = arith.addi %min3A_1052, %add3A_1193 : vector<16xi32>
        %gather3A_1195 = tpu.vector_load_idx %arg7[%add3A_25, %add3A_1194] : memref<64x192xf32, #tpu.memory_space<vmem>>[vector<16xi32>, vector<16xi32>], vector<16xf32>,
        %add3A_1196 = arith.addf %gather3A_1079, %gather3A_1124 : vector<16xf32>
        %add3A_1197 = arith.addf %gather3A_1136, %gather3A_1151 : vector<16xf32>
        %sub3A_1198 = arith.subf %gather3A_1065, %gather3A_1053 : vector<16xf32>
        %lt3A = arith.constant 9.99999974E-6 : f32
        %lt3A_1199 = vector.broadcast %lt3A : f32 to vector<16xf32>
        %lt3A_1200 = arith.cmpf olt, %sub3A_1198, %lt3A_1199 : vector<16xf32>
        %jit3A = arith.constant 1.000000e+00 : f32
        %broadcast_in_dim3A_1201 = vector.broadcast %jit3A : f32 to vector<16xf32>
        %select_n3A_1202 = arith.select %lt3A_1200, %broadcast_in_dim3A_1201, %sub3A_1198 : vector<16xi1>, vector<16xf32>
        %sub3A_1203 = arith.subf %get3A_27, %gather3A_1053 : vector<16xf32>
        %div3A = arith.divf %sub3A_1203, %select_n3A_1202 : vector<16xf32>
        %sub3A_1204 = arith.subf %add3A_1197, %add3A_1196 : vector<16xf32>
        %mul3A_1205 = arith.mulf %div3A, %sub3A_1204 : vector<16xf32>
        %add3A_1206 = arith.addf %add3A_1196, %mul3A_1205 : vector<16xf32>
        %mul3A_1207 = arith.constant 5.000000e-01 : f32
        %mul3A_1208 = vector.broadcast %mul3A_1207 : f32 to vector<16xf32>
        %mul3A_1209 = arith.mulf %mul3A_1208, %add3A_1206 : vector<16xf32>
        %swap3A = arith.index_cast %mul3A_20 : i32 to index
        %swap3A_1210 = arith.constant 0 : index
        %swap3A_1211 = tpu.vector_load %arg9[%swap3A, %swap3A_1210] {strides = array<i32>} : memref<64x96xf32, #tpu.memory_space<vmem>>, vector<16xf32>,
        tpu.vector_store %arg9[%swap3A, %swap3A_1210], %mul3A_1209 {strides = array<i32>} : memref<64x96xf32, #tpu.memory_space<vmem>>, vector<16xf32>,
        %add3A_1212 = arith.addf %gather3A_1083, %gather3A_1125 : vector<16xf32>
        %add3A_1213 = arith.addf %gather3A_1137, %gather3A_1155 : vector<16xf32>
        %sub3A_1214 = arith.subf %gather3A_1066, %gather3A_1054 : vector<16xf32>
        %lt3A_1215 = arith.constant 9.99999974E-6 : f32
        %lt3A_1216 = vector.broadcast %lt3A_1215 : f32 to vector<16xf32>
        %lt3A_1217 = arith.cmpf olt, %sub3A_1214, %lt3A_1216 : vector<16xf32>
        %jit3A_1218 = arith.constant 1.000000e+00 : f32
        %broadcast_in_dim3A_1219 = vector.broadcast %jit3A_1218 : f32 to vector<16xf32>
        %select_n3A_1220 = arith.select %lt3A_1217, %broadcast_in_dim3A_1219, %sub3A_1214 : vector<16xi1>, vector<16xf32>
        %sub3A_1221 = arith.subf %get3A_30, %gather3A_1054 : vector<16xf32>
        %div3A_1222 = arith.divf %sub3A_1221, %select_n3A_1220 : vector<16xf32>
        %sub3A_1223 = arith.subf %add3A_1213, %add3A_1212 : vector<16xf32>
        %mul3A_1224 = arith.mulf %div3A_1222, %sub3A_1223 : vector<16xf32>
        %add3A_1225 = arith.addf %add3A_1212, %mul3A_1224 : vector<16xf32>
        %mul3A_1226 = arith.constant 5.000000e-01 : f32
        %mul3A_1227 = vector.broadcast %mul3A_1226 : f32 to vector<16xf32>
        %mul3A_1228 = arith.mulf %mul3A_1227, %add3A_1225 : vector<16xf32>
        %swap3A_1229 = arith.index_cast %mul3A_20 : i32 to index
        %swap3A_1230 = arith.constant 16 : index
        %swap3A_1231 = tpu.vector_load %arg9[%swap3A_1229, %swap3A_1230] {strides = array<i32>} : memref<64x96xf32, #tpu.memory_space<vmem>>, vector<16xf32>,
        tpu.vector_store %arg9[%swap3A_1229, %swap3A_1230], %mul3A_1228 {strides = array<i32>} : memref<64x96xf32, #tpu.memory_space<vmem>>, vector<16xf32>,
        %add3A_1232 = arith.addf %gather3A_1087, %gather3A_1126 : vector<16xf32>
        %add3A_1233 = arith.addf %gather3A_1138, %gather3A_1159 : vector<16xf32>
        %sub3A_1234 = arith.subf %gather3A_1067, %gather3A_1055 : vector<16xf32>
        %lt3A_1235 = arith.constant 9.99999974E-6 : f32
        %lt3A_1236 = vector.broadcast %lt3A_1235 : f32 to vector<16xf32>
        %lt3A_1237 = arith.cmpf olt, %sub3A_1234, %lt3A_1236 : vector<16xf32>
        %jit3A_1238 = arith.constant 1.000000e+00 : f32
        %broadcast_in_dim3A_1239 = vector.broadcast %jit3A_1238 : f32 to vector<16xf32>
        %select_n3A_1240 = arith.select %lt3A_1237, %broadcast_in_dim3A_1239, %sub3A_1234 : vector<16xi1>, vector<16xf32>
        %sub3A_1241 = arith.subf %get3A_33, %gather3A_1055 : vector<16xf32>
        %div3A_1242 = arith.divf %sub3A_1241, %select_n3A_1240 : vector<16xf32>
        %sub3A_1243 = arith.subf %add3A_1233, %add3A_1232 : vector<16xf32>
        %mul3A_1244 = arith.mulf %div3A_1242, %sub3A_1243 : vector<16xf32>
        %add3A_1245 = arith.addf %add3A_1232, %mul3A_1244 : vector<16xf32>
        %mul3A_1246 = arith.constant 5.000000e-01 : f32
        %mul3A_1247 = vector.broadcast %mul3A_1246 : f32 to vector<16xf32>
        %mul3A_1248 = arith.mulf %mul3A_1247, %add3A_1245 : vector<16xf32>
        %swap3A_1249 = arith.index_cast %mul3A_20 : i32 to index
        %swap3A_1250 = arith.constant 32 : index
        %swap3A_1251 = tpu.vector_load %arg9[%swap3A_1249, %swap3A_1250] {strides = array<i32>} : memref<64x96xf32, #tpu.memory_space<vmem>>, vector<16xf32>,
        tpu.vector_store %arg9[%swap3A_1249, %swap3A_1250], %mul3A_1248 {strides = array<i32>} : memref<64x96xf32, #tpu.memory_space<vmem>>, vector<16xf32>,
        %add3A_1252 = arith.addf %gather3A_1091, %gather3A_1127 : vector<16xf32>
        %add3A_1253 = arith.addf %gather3A_1139, %gather3A_1163 : vector<16xf32>
        %sub3A_1254 = arith.subf %gather3A_1068, %gather3A_1056 : vector<16xf32>
        %lt3A_1255 = arith.constant 9.99999974E-6 : f32
        %lt3A_1256 = vector.broadcast %lt3A_1255 : f32 to vector<16xf32>
        %lt3A_1257 = arith.cmpf olt, %sub3A_1254, %lt3A_1256 : vector<16xf32>
        %jit3A_1258 = arith.constant 1.000000e+00 : f32
        %broadcast_in_dim3A_1259 = vector.broadcast %jit3A_1258 : f32 to vector<16xf32>
        %select_n3A_1260 = arith.select %lt3A_1257, %broadcast_in_dim3A_1259, %sub3A_1254 : vector<16xi1>, vector<16xf32>
        %sub3A_1261 = arith.subf %get3A_36, %gather3A_1056 : vector<16xf32>
        %div3A_1262 = arith.divf %sub3A_1261, %select_n3A_1260 : vector<16xf32>
        %sub3A_1263 = arith.subf %add3A_1253, %add3A_1252 : vector<16xf32>
        %mul3A_1264 = arith.mulf %div3A_1262, %sub3A_1263 : vector<16xf32>
        %add3A_1265 = arith.addf %add3A_1252, %mul3A_1264 : vector<16xf32>
        %mul3A_1266 = arith.constant 5.000000e-01 : f32
        %mul3A_1267 = vector.broadcast %mul3A_1266 : f32 to vector<16xf32>
        %mul3A_1268 = arith.mulf %mul3A_1267, %add3A_1265 : vector<16xf32>
        %swap3A_1269 = arith.index_cast %mul3A_20 : i32 to index
        %swap3A_1270 = arith.constant 48 : index
        %swap3A_1271 = tpu.vector_load %arg9[%swap3A_1269, %swap3A_1270] {strides = array<i32>} : memref<64x96xf32, #tpu.memory_space<vmem>>, vector<16xf32>,
        tpu.vector_store %arg9[%swap3A_1269, %swap3A_1270], %mul3A_1268 {strides = array<i32>} : memref<64x96xf32, #tpu.memory_space<vmem>>, vector<16xf32>,
        %add3A_1272 = arith.addf %gather3A_1095, %gather3A_1128 : vector<16xf32>
        %add3A_1273 = arith.addf %gather3A_1140, %gather3A_1167 : vector<16xf32>
        %sub3A_1274 = arith.subf %gather3A_1069, %gather3A_1057 : vector<16xf32>
        %lt3A_1275 = arith.constant 9.99999974E-6 : f32
        %lt3A_1276 = vector.broadcast %lt3A_1275 : f32 to vector<16xf32>
        %lt3A_1277 = arith.cmpf olt, %sub3A_1274, %lt3A_1276 : vector<16xf32>
        %jit3A_1278 = arith.constant 1.000000e+00 : f32
        %broadcast_in_dim3A_1279 = vector.broadcast %jit3A_1278 : f32 to vector<16xf32>
        %select_n3A_1280 = arith.select %lt3A_1277, %broadcast_in_dim3A_1279, %sub3A_1274 : vector<16xi1>, vector<16xf32>
        %sub3A_1281 = arith.subf %get3A_39, %gather3A_1057 : vector<16xf32>
        %div3A_1282 = arith.divf %sub3A_1281, %select_n3A_1280 : vector<16xf32>
        %sub3A_1283 = arith.subf %add3A_1273, %add3A_1272 : vector<16xf32>
        %mul3A_1284 = arith.mulf %div3A_1282, %sub3A_1283 : vector<16xf32>
        %add3A_1285 = arith.addf %add3A_1272, %mul3A_1284 : vector<16xf32>
        %mul3A_1286 = arith.constant 5.000000e-01 : f32
        %mul3A_1287 = vector.broadcast %mul3A_1286 : f32 to vector<16xf32>
        %mul3A_1288 = arith.mulf %mul3A_1287, %add3A_1285 : vector<16xf32>
        %swap3A_1289 = arith.index_cast %mul3A_20 : i32 to index
        %swap3A_1290 = arith.constant 64 : index
        %swap3A_1291 = tpu.vector_load %arg9[%swap3A_1289, %swap3A_1290] {strides = array<i32>} : memref<64x96xf32, #tpu.memory_space<vmem>>, vector<16xf32>,
        tpu.vector_store %arg9[%swap3A_1289, %swap3A_1290], %mul3A_1288 {strides = array<i32>} : memref<64x96xf32, #tpu.memory_space<vmem>>, vector<16xf32>,
        %add3A_1292 = arith.addf %gather3A_1099, %gather3A_1129 : vector<16xf32>
        %add3A_1293 = arith.addf %gather3A_1141, %gather3A_1171 : vector<16xf32>
        %sub3A_1294 = arith.subf %gather3A_1070, %gather3A_1058 : vector<16xf32>
        %lt3A_1295 = arith.constant 9.99999974E-6 : f32
        %lt3A_1296 = vector.broadcast %lt3A_1295 : f32 to vector<16xf32>
        %lt3A_1297 = arith.cmpf olt, %sub3A_1294, %lt3A_1296 : vector<16xf32>
        %jit3A_1298 = arith.constant 1.000000e+00 : f32
        %broadcast_in_dim3A_1299 = vector.broadcast %jit3A_1298 : f32 to vector<16xf32>
        %select_n3A_1300 = arith.select %lt3A_1297, %broadcast_in_dim3A_1299, %sub3A_1294 : vector<16xi1>, vector<16xf32>
        %sub3A_1301 = arith.subf %get3A_42, %gather3A_1058 : vector<16xf32>
        %div3A_1302 = arith.divf %sub3A_1301, %select_n3A_1300 : vector<16xf32>
        %sub3A_1303 = arith.subf %add3A_1293, %add3A_1292 : vector<16xf32>
        %mul3A_1304 = arith.mulf %div3A_1302, %sub3A_1303 : vector<16xf32>
        %add3A_1305 = arith.addf %add3A_1292, %mul3A_1304 : vector<16xf32>
        %mul3A_1306 = arith.constant 5.000000e-01 : f32
        %mul3A_1307 = vector.broadcast %mul3A_1306 : f32 to vector<16xf32>
        %mul3A_1308 = arith.mulf %mul3A_1307, %add3A_1305 : vector<16xf32>
        %swap3A_1309 = arith.index_cast %mul3A_20 : i32 to index
        %swap3A_1310 = arith.constant 80 : index
        %swap3A_1311 = tpu.vector_load %arg9[%swap3A_1309, %swap3A_1310] {strides = array<i32>} : memref<64x96xf32, #tpu.memory_space<vmem>>, vector<16xf32>,
        tpu.vector_store %arg9[%swap3A_1309, %swap3A_1310], %mul3A_1308 {strides = array<i32>} : memref<64x96xf32, #tpu.memory_space<vmem>>, vector<16xf32>,
        %add3A_1312 = arith.addf %gather3A_1103, %gather3A_1130 : vector<16xf32>
        %add3A_1313 = arith.addf %gather3A_1142, %gather3A_1175 : vector<16xf32>
        %sub3A_1314 = arith.subf %gather3A_1071, %gather3A_1059 : vector<16xf32>
        %lt3A_1315 = arith.constant 9.99999974E-6 : f32
        %lt3A_1316 = vector.broadcast %lt3A_1315 : f32 to vector<16xf32>
        %lt3A_1317 = arith.cmpf olt, %sub3A_1314, %lt3A_1316 : vector<16xf32>
        %jit3A_1318 = arith.constant 1.000000e+00 : f32
        %broadcast_in_dim3A_1319 = vector.broadcast %jit3A_1318 : f32 to vector<16xf32>
        %select_n3A_1320 = arith.select %lt3A_1317, %broadcast_in_dim3A_1319, %sub3A_1314 : vector<16xi1>, vector<16xf32>
        %sub3A_1321 = arith.subf %get3A_45, %gather3A_1059 : vector<16xf32>
        %div3A_1322 = arith.divf %sub3A_1321, %select_n3A_1320 : vector<16xf32>
        %sub3A_1323 = arith.subf %add3A_1313, %add3A_1312 : vector<16xf32>
        %mul3A_1324 = arith.mulf %div3A_1322, %sub3A_1323 : vector<16xf32>
        %add3A_1325 = arith.addf %add3A_1312, %mul3A_1324 : vector<16xf32>
        %mul3A_1326 = arith.constant 5.000000e-01 : f32
        %mul3A_1327 = vector.broadcast %mul3A_1326 : f32 to vector<16xf32>
        %mul3A_1328 = arith.mulf %mul3A_1327, %add3A_1325 : vector<16xf32>
        %swap3A_1329 = arith.index_cast %add3A_22 : i32 to index
        %swap3A_1330 = arith.constant 0 : index
        %swap3A_1331 = tpu.vector_load %arg9[%swap3A_1329, %swap3A_1330] {strides = array<i32>} : memref<64x96xf32, #tpu.memory_space<vmem>>, vector<16xf32>,
        tpu.vector_store %arg9[%swap3A_1329, %swap3A_1330], %mul3A_1328 {strides = array<i32>} : memref<64x96xf32, #tpu.memory_space<vmem>>, vector<16xf32>,
        %add3A_1332 = arith.addf %gather3A_1107, %gather3A_1131 : vector<16xf32>
        %add3A_1333 = arith.addf %gather3A_1143, %gather3A_1179 : vector<16xf32>
        %sub3A_1334 = arith.subf %gather3A_1072, %gather3A_1060 : vector<16xf32>
        %lt3A_1335 = arith.constant 9.99999974E-6 : f32
        %lt3A_1336 = vector.broadcast %lt3A_1335 : f32 to vector<16xf32>
        %lt3A_1337 = arith.cmpf olt, %sub3A_1334, %lt3A_1336 : vector<16xf32>
        %jit3A_1338 = arith.constant 1.000000e+00 : f32
        %broadcast_in_dim3A_1339 = vector.broadcast %jit3A_1338 : f32 to vector<16xf32>
        %select_n3A_1340 = arith.select %lt3A_1337, %broadcast_in_dim3A_1339, %sub3A_1334 : vector<16xi1>, vector<16xf32>
        %sub3A_1341 = arith.subf %get3A_48, %gather3A_1060 : vector<16xf32>
        %div3A_1342 = arith.divf %sub3A_1341, %select_n3A_1340 : vector<16xf32>
        %sub3A_1343 = arith.subf %add3A_1333, %add3A_1332 : vector<16xf32>
        %mul3A_1344 = arith.mulf %div3A_1342, %sub3A_1343 : vector<16xf32>
        %add3A_1345 = arith.addf %add3A_1332, %mul3A_1344 : vector<16xf32>
        %mul3A_1346 = arith.constant 5.000000e-01 : f32
        %mul3A_1347 = vector.broadcast %mul3A_1346 : f32 to vector<16xf32>
        %mul3A_1348 = arith.mulf %mul3A_1347, %add3A_1345 : vector<16xf32>
        %swap3A_1349 = arith.index_cast %add3A_22 : i32 to index
        %swap3A_1350 = arith.constant 16 : index
        %swap3A_1351 = tpu.vector_load %arg9[%swap3A_1349, %swap3A_1350] {strides = array<i32>} : memref<64x96xf32, #tpu.memory_space<vmem>>, vector<16xf32>,
        tpu.vector_store %arg9[%swap3A_1349, %swap3A_1350], %mul3A_1348 {strides = array<i32>} : memref<64x96xf32, #tpu.memory_space<vmem>>, vector<16xf32>,
        %add3A_1352 = arith.addf %gather3A_1111, %gather3A_1132 : vector<16xf32>
        %add3A_1353 = arith.addf %gather3A_1144, %gather3A_1183 : vector<16xf32>
        %sub3A_1354 = arith.subf %gather3A_1073, %gather3A_1061 : vector<16xf32>
        %lt3A_1355 = arith.constant 9.99999974E-6 : f32
        %lt3A_1356 = vector.broadcast %lt3A_1355 : f32 to vector<16xf32>
        %lt3A_1357 = arith.cmpf olt, %sub3A_1354, %lt3A_1356 : vector<16xf32>
        %jit3A_1358 = arith.constant 1.000000e+00 : f32
        %broadcast_in_dim3A_1359 = vector.broadcast %jit3A_1358 : f32 to vector<16xf32>
        %select_n3A_1360 = arith.select %lt3A_1357, %broadcast_in_dim3A_1359, %sub3A_1354 : vector<16xi1>, vector<16xf32>
        %sub3A_1361 = arith.subf %get3A_51, %gather3A_1061 : vector<16xf32>
        %div3A_1362 = arith.divf %sub3A_1361, %select_n3A_1360 : vector<16xf32>
        %sub3A_1363 = arith.subf %add3A_1353, %add3A_1352 : vector<16xf32>
        %mul3A_1364 = arith.mulf %div3A_1362, %sub3A_1363 : vector<16xf32>
        %add3A_1365 = arith.addf %add3A_1352, %mul3A_1364 : vector<16xf32>
        %mul3A_1366 = arith.constant 5.000000e-01 : f32
        %mul3A_1367 = vector.broadcast %mul3A_1366 : f32 to vector<16xf32>
        %mul3A_1368 = arith.mulf %mul3A_1367, %add3A_1365 : vector<16xf32>
        %swap3A_1369 = arith.index_cast %add3A_22 : i32 to index
        %swap3A_1370 = arith.constant 32 : index
        %swap3A_1371 = tpu.vector_load %arg9[%swap3A_1369, %swap3A_1370] {strides = array<i32>} : memref<64x96xf32, #tpu.memory_space<vmem>>, vector<16xf32>,
        tpu.vector_store %arg9[%swap3A_1369, %swap3A_1370], %mul3A_1368 {strides = array<i32>} : memref<64x96xf32, #tpu.memory_space<vmem>>, vector<16xf32>,
        %add3A_1372 = arith.addf %gather3A_1115, %gather3A_1133 : vector<16xf32>
        %add3A_1373 = arith.addf %gather3A_1145, %gather3A_1187 : vector<16xf32>
        %sub3A_1374 = arith.subf %gather3A_1074, %gather3A_1062 : vector<16xf32>
        %lt3A_1375 = arith.constant 9.99999974E-6 : f32
        %lt3A_1376 = vector.broadcast %lt3A_1375 : f32 to vector<16xf32>
        %lt3A_1377 = arith.cmpf olt, %sub3A_1374, %lt3A_1376 : vector<16xf32>
        %jit3A_1378 = arith.constant 1.000000e+00 : f32
        %broadcast_in_dim3A_1379 = vector.broadcast %jit3A_1378 : f32 to vector<16xf32>
        %select_n3A_1380 = arith.select %lt3A_1377, %broadcast_in_dim3A_1379, %sub3A_1374 : vector<16xi1>, vector<16xf32>
        %sub3A_1381 = arith.subf %get3A_54, %gather3A_1062 : vector<16xf32>
        %div3A_1382 = arith.divf %sub3A_1381, %select_n3A_1380 : vector<16xf32>
        %sub3A_1383 = arith.subf %add3A_1373, %add3A_1372 : vector<16xf32>
        %mul3A_1384 = arith.mulf %div3A_1382, %sub3A_1383 : vector<16xf32>
        %add3A_1385 = arith.addf %add3A_1372, %mul3A_1384 : vector<16xf32>
        %mul3A_1386 = arith.constant 5.000000e-01 : f32
        %mul3A_1387 = vector.broadcast %mul3A_1386 : f32 to vector<16xf32>
        %mul3A_1388 = arith.mulf %mul3A_1387, %add3A_1385 : vector<16xf32>
        %swap3A_1389 = arith.index_cast %add3A_22 : i32 to index
        %swap3A_1390 = arith.constant 48 : index
        %swap3A_1391 = tpu.vector_load %arg9[%swap3A_1389, %swap3A_1390] {strides = array<i32>} : memref<64x96xf32, #tpu.memory_space<vmem>>, vector<16xf32>,
        tpu.vector_store %arg9[%swap3A_1389, %swap3A_1390], %mul3A_1388 {strides = array<i32>} : memref<64x96xf32, #tpu.memory_space<vmem>>, vector<16xf32>,
        %add3A_1392 = arith.addf %gather3A_1119, %gather3A_1134 : vector<16xf32>
        %add3A_1393 = arith.addf %gather3A_1146, %gather3A_1191 : vector<16xf32>
        %sub3A_1394 = arith.subf %gather3A_1075, %gather3A_1063 : vector<16xf32>
        %lt3A_1395 = arith.constant 9.99999974E-6 : f32
        %lt3A_1396 = vector.broadcast %lt3A_1395 : f32 to vector<16xf32>
        %lt3A_1397 = arith.cmpf olt, %sub3A_1394, %lt3A_1396 : vector<16xf32>
        %jit3A_1398 = arith.constant 1.000000e+00 : f32
        %broadcast_in_dim3A_1399 = vector.broadcast %jit3A_1398 : f32 to vector<16xf32>
        %select_n3A_1400 = arith.select %lt3A_1397, %broadcast_in_dim3A_1399, %sub3A_1394 : vector<16xi1>, vector<16xf32>
        %sub3A_1401 = arith.subf %get3A_57, %gather3A_1063 : vector<16xf32>
        %div3A_1402 = arith.divf %sub3A_1401, %select_n3A_1400 : vector<16xf32>
        %sub3A_1403 = arith.subf %add3A_1393, %add3A_1392 : vector<16xf32>
        %mul3A_1404 = arith.mulf %div3A_1402, %sub3A_1403 : vector<16xf32>
        %add3A_1405 = arith.addf %add3A_1392, %mul3A_1404 : vector<16xf32>
        %mul3A_1406 = arith.constant 5.000000e-01 : f32
        %mul3A_1407 = vector.broadcast %mul3A_1406 : f32 to vector<16xf32>
        %mul3A_1408 = arith.mulf %mul3A_1407, %add3A_1405 : vector<16xf32>
        %swap3A_1409 = arith.index_cast %add3A_22 : i32 to index
        %swap3A_1410 = arith.constant 64 : index
        %swap3A_1411 = tpu.vector_load %arg9[%swap3A_1409, %swap3A_1410] {strides = array<i32>} : memref<64x96xf32, #tpu.memory_space<vmem>>, vector<16xf32>,
        tpu.vector_store %arg9[%swap3A_1409, %swap3A_1410], %mul3A_1408 {strides = array<i32>} : memref<64x96xf32, #tpu.memory_space<vmem>>, vector<16xf32>,
        %add3A_1412 = arith.addf %gather3A_1123, %gather3A_1135 : vector<16xf32>
        %add3A_1413 = arith.addf %gather3A_1147, %gather3A_1195 : vector<16xf32>
        %sub3A_1414 = arith.subf %gather3A_1076, %gather3A_1064 : vector<16xf32>
        %lt3A_1415 = arith.constant 9.99999974E-6 : f32
        %lt3A_1416 = vector.broadcast %lt3A_1415 : f32 to vector<16xf32>
        %lt3A_1417 = arith.cmpf olt, %sub3A_1414, %lt3A_1416 : vector<16xf32>
        %jit3A_1418 = arith.constant 1.000000e+00 : f32
        %broadcast_in_dim3A_1419 = vector.broadcast %jit3A_1418 : f32 to vector<16xf32>
        %select_n3A_1420 = arith.select %lt3A_1417, %broadcast_in_dim3A_1419, %sub3A_1414 : vector<16xi1>, vector<16xf32>
        %sub3A_1421 = arith.subf %get3A_60, %gather3A_1064 : vector<16xf32>
        %div3A_1422 = arith.divf %sub3A_1421, %select_n3A_1420 : vector<16xf32>
        %sub3A_1423 = arith.subf %add3A_1413, %add3A_1412 : vector<16xf32>
        %mul3A_1424 = arith.mulf %div3A_1422, %sub3A_1423 : vector<16xf32>
        %add3A_1425 = arith.addf %add3A_1412, %mul3A_1424 : vector<16xf32>
        %mul3A_1426 = arith.constant 5.000000e-01 : f32
        %mul3A_1427 = vector.broadcast %mul3A_1426 : f32 to vector<16xf32>
        %mul3A_1428 = arith.mulf %mul3A_1427, %add3A_1425 : vector<16xf32>
        %swap3A_1429 = arith.index_cast %add3A_22 : i32 to index
        %swap3A_1430 = arith.constant 80 : index
        %swap3A_1431 = tpu.vector_load %arg9[%swap3A_1429, %swap3A_1430] {strides = array<i32>} : memref<64x96xf32, #tpu.memory_space<vmem>>, vector<16xf32>,
        tpu.vector_store %arg9[%swap3A_1429, %swap3A_1430], %mul3A_1428 {strides = array<i32>} : memref<64x96xf32, #tpu.memory_space<vmem>>, vector<16xf32>,
      }
      %scan3A_17 = arith.constant 32 : i32
      "tpu.region"() ({
        %run_scoped3A = tpu.sem_alloc : memref<!tpu.dma_semaphore, #tpu.memory_space<semaphore_mem>>
        %dma_start3A = arith.constant 0 : i32
        %dma_start3A_18 = tpu.memref_slice %arg5[%add3A_11, %dma_start3A] : memref<65536x96xf32, #tpu.memory_space<hbm>> -> memref<64x96xf32, #tpu.memory_space<hbm>>
        %dma_start3A_19 = arith.constant 0 : i32
        %dma_start3A_20 = tpu.memref_slice %arg5[%add3A_11, %dma_start3A_19] : memref<65536x96xf32, #tpu.memory_space<hbm>> -> memref<64x96xf32, #tpu.memory_space<hbm>>
        tpu.enqueue_dma source(%arg9 : memref<64x96xf32, #tpu.memory_space<vmem>>) target(%dma_start3A_20 : memref<64x96xf32, #tpu.memory_space<hbm>>) target_semaphore(%run_scoped3A : memref<!tpu.dma_semaphore, #tpu.memory_space<semaphore_mem>>)
        %dma_wait3A = arith.constant 0 : i32
        %dma_wait3A_21 = tpu.memref_slice %arg5[%add3A_11, %dma_wait3A] : memref<65536x96xf32, #tpu.memory_space<hbm>> -> memref<64x96xf32, #tpu.memory_space<hbm>>
        %dma_wait3A_22 = arith.constant 0 : i32
        %dma_wait3A_23 = tpu.memref_slice %arg5[%add3A_11, %dma_wait3A_22] : memref<65536x96xf32, #tpu.memory_space<hbm>> -> memref<64x96xf32, #tpu.memory_space<hbm>>
        tpu.wait_dma2 semaphore(%run_scoped3A : memref<!tpu.dma_semaphore, #tpu.memory_space<semaphore_mem>>) src(%arg9 : memref<64x96xf32, #tpu.memory_space<vmem>>) dst(%dma_wait3A_23 : memref<64x96xf32, #tpu.memory_space<hbm>>)
        tpu.yield
      }) : () -> ()
    }
    %scan3A_7 = arith.constant 32 : i32
    return
  }
}

module attributes {stable_mosaic.version = 14 : i64} {
  func.func @_prep_body(%arg0: i32, %arg1: memref<512x192xf32, #tpu.memory_space<vmem>>, %arg2: memref<512x192xf32, #tpu.memory_space<vmem>>) attributes {dimension_semantics = [#tpu.dimension_semantics<arbitrary>], iteration_bounds = array<i64: 128>, scalar_prefetch = 0 : i64, scratch_operands = 0 : i64, tpu.core_type = #tpu.core_type<tc>, window_params = [{transform_indices = @transform_0, window_bounds = array<i64: 512, 192>}, {transform_indices = @transform_1, window_bounds = array<i64: 512, 192>}]} {
    %get3A = arith.constant 0 : index
    %get3A_0 = arith.constant 1 : index
    %get3A_1 = vector.load %arg1[%get3A, %get3A_0] : memref<512x192xf32, #tpu.memory_space<vmem>>, vector<512x190xf32>
    %add3A = arith.constant 9.99999974E-6 : f32
    %add3A_2 = vector.broadcast %add3A : f32 to vector<512x190xf32>
    %add3A_3 = arith.addf %get3A_1, %add3A_2 : vector<512x190xf32>
    %iota3A = tpu.iota {dimensions = array<i32: 0>} : vector<190x192xi32>
    %iota3A_4 = tpu.iota {dimensions = array<i32: 1>} : vector<190x192xi32>
    %sub3A = arith.constant 2 : i32
    %sub3A_5 = vector.broadcast %sub3A : i32 to vector<190x192xi32>
    %sub3A_6 = arith.subi %iota3A_4, %sub3A_5 : vector<190x192xi32>
    %le3A = arith.cmpi sle, %iota3A, %sub3A_6 : vector<190x192xi32>
    %jit3A = arith.constant 1.000000e+00 : f32
    %jit3A_7 = arith.constant 0.000000e+00 : f32
    %broadcast_in_dim3A = vector.broadcast %jit3A : f32 to vector<190x192xf32>
    %broadcast_in_dim3A_8 = vector.broadcast %jit3A_7 : f32 to vector<190x192xf32>
    %select_n3A = arith.select %le3A, %broadcast_in_dim3A, %broadcast_in_dim3A_8 : vector<190x192xi1>, vector<190x192xf32>
    %dot_general3A = arith.constant dense<0.000000e+00> : vector<512x192xf32>
    %dot_general3A_9 = tpu.matmul %add3A_3, %select_n3A, %dot_general3A {dimension_numbers = #tpu.dot_dimension_numbers<[1], [0], [0], [1], [0, 0, 1, 1], [], []>, transpose_lhs_hint = false} : vector<512x190xf32>, vector<190x192xf32>, vector<512x192xf32> -> vector<512x192xf32>
    %slice3A = vector.extract_strided_slice %dot_general3A_9 {offsets = [0, 191], sizes = [512, 1], strides = [1, 1]} : vector<512x192xf32> to vector<512x1xf32>
    %div3A = vector.broadcast %slice3A : vector<512x1xf32> to vector<512x192xf32>
    %div3A_10 = arith.divf %dot_general3A_9, %div3A : vector<512x192xf32>
    %swap3A = arith.constant 0 : index
    %swap3A_11 = arith.constant 0 : index
    %swap3A_12 = vector.load %arg2[%swap3A, %swap3A_11] : memref<512x192xf32, #tpu.memory_space<vmem>>, vector<512x192xf32>
    tpu.vector_store %arg2[%swap3A, %swap3A_11], %div3A_10 {strides = array<i32>} : memref<512x192xf32, #tpu.memory_space<vmem>>, vector<512x192xf32>,
    return
  }
  func.func @transform_0(%arg0: i32) -> (i32, i32) {
    %c0_i32 = arith.constant 0 : i32
    %c0_i32_0 = arith.constant 0 : i32
    return %arg0, %c0_i32 : i32, i32
  }
  func.func @transform_1(%arg0: i32) -> (i32, i32) {
    %c0_i32 = arith.constant 0 : i32
    %c0_i32_0 = arith.constant 0 : i32
    return %arg0, %c0_i32 : i32, i32
  }
}

</mosaic_0001>

<sc_bundles>
// kernel: kernel.4.cloned.1.call-start
scs
__scs_entry_jumppad:
0x0: {  	(pc) =	sbr.rel $0x88, $3  }
0x1: {  	(tag) =	ssettag $0x0;
	lr =	simm.s32 $0x1  }
0x2: {  	[smem:$0x3F9E] =	sst lr;
	_ =	strace $0xD0000000  }
0x3: {  	_ = 	snop  }
0x4: {  	_ = 	snop  }
0x5: {  	_ = 	snop  }
0x6: {  	_ = 	snop  }
0x7: {  	_ = 	snop  }
__scs_overlays_trampoline_lowered:
0x8: {  	[smem:$0x3FAD] =	sst s0  }
0x9: {  	[smem:$0x3FAE] =	sst s1  }
0xa: {  	[smem:$0x3FAF] =	sst s2  }
0xb: {  	[smem:$0x3FB0] =	sst s3  }
0xc: {  	[smem:$0x3FB1] =	sst s4  }
0xd: {  	[smem:$0x3FB2] =	sst s5  }
0xe: {  	[smem:$0x3FB3] =	sst s6  }
0xf: {  	[smem:$0x3FB4] =	sst s7  }
0x10: {  	[smem:$0x3FB5] =	sst s8  }
0x11: {  	[smem:$0x3FB6] =	sst s9;
	s0 =	simm.s32 @!p0 $0x0  }
0x12: {  	s1 =	sld [smem:$0x3F9C];
	s0 =	simm.s32 @p0 $0x1  }
0x13: {  	[smem:$0x3FB7] =	sst s0;
	s0 =	simm.s32 @!p1 $0x0  }
0x14: {  	s2 =	sld [smem:$0x3F9B];
	s0 =	simm.s32 @p1 $0x1  }
0x15: {  	[smem:$0x3FB8] =	sst s0;
	s0 =	simm.s32 @!p2 $0x0  }
0x16: {  	s3 =	sld [smem:$0x3FDB];
	s0 =	simm.s32 @p2 $0x1  }
0x17: {  	s4 =	simm.s32 $0x1BF5;
	[smem:$0x3FBA] =	sst s0  }
0x18: {  	s0 =	sld [smem:$0x3F9D];
	_ =	swait.ge [sflag:s4], $0x0  }
0x19: {  	s7 =	sld [smem:$0x3F9E]  }
0x1a: {  	s8 =	sadd.s32 $0xFFFFE003, lr  }
0x1b: {  	s9 =	sadd.s32 $0xFFFFFEF7, lr;
	s5 =	simm.s32 $0xFFFFFFFF;
	p2 =	slt.u32 s8, $0xFFFFF086  }
0x1c: {  	p1 =	slt.u32 s9, $0xF7A;
	s5 =	simm.s32 @!p2 $0x0  }
0x1d: {  	s5 =	simm.s32 @p1 $0x1;
	p0 =	seq.s32 s7, s2  }
0x1e: {  	s7 =	smul.u32 @!p0 $0xF7A, s2;
	p2 =	seq.s32 @!p0 s5, $0x0  }
0x1f: {  	s9 =	smul.u32 $0xF7A, s1;
	s8 =	simm.s32 @!p0 $0x1BF5;
	p2 =	por !p2, p0  }
0x20: {  	[sflag:s8] =	ssyncset.s32 @!p0 $0xFFFFF086;
	s6 =	sadd.s32 @!p0 s3, s7;
	s7 =	simm.s32 @!p0 $0x108  }
0x21: {  	s3 =	sadd.s32 s3, s9;
	s6 =	sadd.s32 @!p0 $0x88, s6;
	s7 =	simm.s32 @p2 $0x1082  }
0x22: {  	[simem:s7], [sflag:s8] =	dma.local @!p0 [hbm:s6], $0xF7A  }
0x23: {  	s9 =	sor.u32 $0xD0000000, s2;
	s6 =	simm.s32 $0x108;
	_ =	swait.ge @!p0 [sflag:s8], $0x0  }
0x24: {  	s3 =	sadd.s32 $0x88, s3;
	s6 =	simm.s32 @!p1 $0x1082;
	[sflag:s4] =	ssyncset.s32 $0xFFFFF086  }
0x25: {  	[simem:s6], [sflag:s4] =	dma.local [hbm:s3], $0xF7A  }
0x26: {  	[smem:$0x3F9E] =	sst s1;
	(tag) =	ssettag s2;
	_ =	strace s9  }
0x27: {  	s1 =	sld [smem:$0x3FAE]  }
0x28: {  	s2 =	sld [smem:$0x3FAF]  }
0x29: {  	s4 =	sld [smem:$0x3FB1]  }
0x2a: {  	p0 =	seq.s32 s5, $0x0;
	s5 =	sld [smem:$0x3FB2]  }
0x2b: {  	s6 =	sld [smem:$0x3FB3]  }
0x2c: {  	s7 =	sld [smem:$0x3FB4]  }
0x2d: {  	s3 =	simm.s32 $0x108;
	s8 =	sld [smem:$0x3FB5]  }
0x2e: {  	s3 =	simm.s32 @!p0 $0x1082;
	s9 =	sld [smem:$0x3FB6]  }
0x2f: {  	lr =	sadd.s32 s0, s3;
	s0 =	sld [smem:$0x3FAD]  }
0x30: {  	s3 =	sld [smem:$0x3FB0]  }
0x31: {  	[smem:$0x3FB9] =	sst s10  }
0x32: {  	s10 =	sld [smem:$0x3FB7];
	_ =	sdelay $0x3  }
0x33: {  	p0 =	seq.s32 s10, $0x1;
	s10 =	sld [smem:$0x3FB9];
	_ =	sdelay $0x3  }
0x34: {  	[smem:$0x3FB9] =	sst s10  }
0x35: {  	s10 =	sld [smem:$0x3FB8];
	_ =	sdelay $0x3  }
0x36: {  	p1 =	seq.s32 s10, $0x1;
	s10 =	sld [smem:$0x3FB9];
	_ =	sdelay $0x3  }
0x37: {  	[smem:$0x3FB9] =	sst s10  }
0x38: {  	s10 =	sld [smem:$0x3FBA]  }
0x39: {  	_ = 	snop;
	(pc) =	sbr.ind lr, $3  }
0x3a: {  	_ = 	snop  }
0x3b: {  	_ = 	snop  }
0x3c: {  	p2 =	seq.s32 s10, $0x1;
	s10 =	sld [smem:$0x3FB9]  }
0x3d: {  	_ =	shalt  }
0x3e: {  	_ =	shalt  }
0x3f: {  	_ =	shalt  }
0x40: {  	_ =	shalt  }
0x41: {  	_ =	shalt  }
0x42: {  	_ =	shalt  }
0x43: {  	_ =	shalt  }
0x44: {  	_ =	shalt  }
0x45: {  	_ =	shalt  }
0x46: {  	_ =	shalt  }
0x47: {  	_ =	shalt  }
0x48: {  	_ =	shalt  }
0x49: {  	_ =	shalt  }
0x4a: {  	_ =	shalt  }
0x4b: {  	_ =	shalt  }
0x4c: {  	_ =	shalt  }
0x4d: {  	_ =	shalt  }
0x4e: {  	_ =	shalt  }
0x4f: {  	_ =	shalt  }
0x50: {  	_ =	shalt  }
0x51: {  	_ =	shalt  }
0x52: {  	_ =	shalt  }
0x53: {  	_ =	shalt  }
0x54: {  	_ =	shalt  }
0x55: {  	_ =	shalt  }
0x56: {  	_ =	shalt  }
0x57: {  	_ =	shalt  }
0x58: {  	_ =	shalt  }
0x59: {  	_ =	shalt  }
0x5a: {  	_ =	shalt  }
0x5b: {  	_ =	shalt  }
0x5c: {  	_ =	shalt  }
0x5d: {  	_ =	shalt  }
0x5e: {  	_ =	shalt  }
0x5f: {  	_ =	shalt  }
0x60: {  	_ =	shalt  }
0x61: {  	_ =	shalt  }
0x62: {  	_ =	shalt  }
0x63: {  	_ =	shalt  }
0x64: {  	_ =	shalt  }
0x65: {  	_ =	shalt  }
0x66: {  	_ =	shalt  }
0x67: {  	_ =	shalt  }
0x68: {  	_ =	shalt  }
0x69: {  	_ =	shalt  }
0x6a: {  	_ =	shalt  }
0x6b: {  	_ =	shalt  }
0x6c: {  	_ =	shalt  }
0x6d: {  	_ =	shalt  }
0x6e: {  	_ =	shalt  }
0x6f: {  	_ =	shalt  }
0x70: {  	_ =	shalt  }
0x71: {  	_ =	shalt  }
0x72: {  	_ =	shalt  }
0x73: {  	_ =	shalt  }
0x74: {  	_ =	shalt  }
0x75: {  	_ =	shalt  }
0x76: {  	_ =	shalt  }
0x77: {  	_ =	shalt  }
0x78: {  	_ =	shalt  }
0x79: {  	_ =	shalt  }
0x7a: {  	_ =	shalt  }
0x7b: {  	_ =	shalt  }
0x7c: {  	_ =	shalt  }
0x7d: {  	_ =	shalt  }
0x7e: {  	_ =	shalt  }
0x7f: {  	_ =	shalt  }
0x80: {  	_ =	shalt  }
0x81: {  	_ =	shalt  }
0x82: {  	_ =	shalt  }
0x83: {  	_ =	shalt  }
0x84: {  	_ =	shalt  }
0x85: {  	_ =	shalt  }
0x86: {  	_ =	shalt  }
0x87: {  	_ =	shalt  }
.Lfunc_end0:
.L_simem_size_0:
called_computation_lowered:
.L_overlay_start_0:
0x88: {  	s2 =	sld [smem:$0x3FD9]  }
0x89: {  	s3 =	sld [smem:$0x3FFE];
	_ =	sdelay $0x1  }
0x8a: {  	s1 =	srdreg.scid  }
0x8b: {  	s0 =	sand.u32 $0x1, s1  }
0x8c: {  	s17 =	sshll.u32 s0, $0xA;
	s2 =	sadd.s32 s3, s2  }
0x8d: {  	s2 =	sadd.s32 s2, s17  }
0x8e: {  	[smem:$0x3FC5] =	sst s2  }
0x8f: {  	_ = 	snop  }
0x90: {  	s2 =	sld [smem:$0x3FD0];
	(tm) =	ssettm $0x1  }
0x91: {  	s18 =	sld [smem:$0x3FFB];
	_ =	sdelay $0x3  }
0x92: {  	_ =	strace s18  }
0x93: {  	s3 =	sld [smem:$0x3FFC];
	_ =	sdelay $0x3  }
0x94: {  	_ =	strace s3  }
0x95: {  	s3 =	sld [smem:$0x3FFD];
	_ =	sdelay $0x3  }
0x96: {  	_ =	strace s3  }
0x97: {  	_ =	strace $0x8FFFFFFF  }
0x98: {  	s19 =	sld [smem:$0x3FDB];
	_ =	sdelay $0x1  }
0x99: {  	s4 =	simm.s32 $_scs_section_size  }
0x9a: {  	s5 =	simm.s32 $_size__tile_overlayer_lowered;
	s6 =	simm.s32 $_tile_overlayer_lowered  }
0x9b: {  	s22 =	simm.s32 $0x1BFF;
	s21 =	sshll.u32 s6, $0x1;
	s3 =	sadd.s32 s4, s19  }
0x9c: {  	s7 =	simm.s32 $0x0;
	s20 =	sshll.u32 s5, $0x1;
	s5 =	sadd.s32 s21, s3  }
0x9d: {  	[timem:s7], [sflag:s22] =	dma.local [hbm:s5], s20  }
0x9e: {  	_ =	swait.ge [sflag:s22], s20  }
0x9f: {  	s4 =	ssub.s32 $0x0, s20;
	[sflag:s22] =	ssyncset.done $0x0  }
0xa0: {  	[sflag:s22] =	ssyncadd.s32 s4;
	_ =	sdelay $0x1  }
0xa1: {  	s23 =	simm.s32 $0x1B8B  }
0xa2: {  	_ =	swait.ge [sflag:s23], $0x1  }
0xa3: {  	[sflag:s23] =	ssyncset.done $0x0  }
0xa4: {  	s25 =	simm.s32 $0x1B8E;
	s24 =	sld [smem:$0x3FFE];
	[sflag:s23] =	ssyncadd.s32 $0xFFFFFFFF  }
0xa5: {  	s26 =	simm.s32 $execute0_lowered;
	[smem:$0x3FD2] =	sst s25  }
0xa6: {  	s5 =	sshll.u32 s26, $0x1;
	_ =	strace $0x80000046;
	[dreg:$0x1] =	wrdreg $0xFFFFFFFF  }
0xa7: {  	s28 =	simm.s32 $_size_execute0_lowered;
	s3 =	sadd.s32 s3, s5;
	[dreg:$0x0] =	wrdreg $0x0  }
0xa8: {  	s5 =	sshll.u32 s28, $0x1;
	[dreg:$0x2] =	wrdreg s3  }
0xa9: {  	[dreg:$0x3] =	wrdreg s5  }
0xaa: {  	[dreg:$0x4] =	wrdreg $0xC0  }
0xab: {  	_ =	task [dreg:s7], $0x5FFFF  }
0xac: {  	[dreg:$0x1] =	wrdreg $0xFFFFFFFF  }
0xad: {  	[dreg:$0x0] =	wrdreg $0x60  }
0xae: {  	[dreg:$0x2] =	wrdreg s24  }
0xaf: {  	[dreg:$0x3] =	wrdreg s2  }
0xb0: {  	[dreg:$0x4] =	wrdreg $0x9  }
0xb1: {  	_ =	task.clear_ibuf [dreg:s7], $0x5FFFF;
	_ =	strace $0x90000046  }
0xb2: {  	s29 =	simm.s32 $0x9;
	_ =	strace $0x80000048  }
0xb3: {  	_ =	swait.ge [sflag:s29], $0x1  }
0xb4: {  	[sflag:s29] =	ssyncadd.s32 $0xFFFFFFFF  }
0xb5: {  	_ =	strace $0x90000048  }
0xb6: {  	_ =	sfence  }
0xb7: {  	s30 =	sld [smem:$0x0];
	_ =	sdelay $0x2  }
0xb8: {  	s31 =	sshll.u32 s1, $0xD;
	s1 =	sshrl.u32 s1, $0x2  }
0xb9: {  	s3 =	sand.u32 $0x4000, s31;
	s1 =	sadd.s32 s1, s30  }
0xba: {  	s0 =	sor.u32 s3, s0;
	s1 =	sshll.u32 s1, $0x11  }
0xbb: {  	s0 =	sor.u32 s1, s0  }
0xbc: {  	s0 =	sadd.s32 $0x8F2B, s0  }
0xbd: {  	[sflag:s0] =	ssyncadd.remote.s32 $0x1  }
0xbe: {  	_ =	sfence.sel $0xFFFF  }
0xbf: {  	[dreg:$0x0] =	wrdreg $0xFFFFFFFF;
	(pc) =	sbr.abs _section_cstart, $3  }
0xc0: {  	[dreg:$0x1] =	wrdreg $0xFFFFFFFF  }
0xc1: {  	_ =	task.clear_ibuf [dreg:s7], $0x2FFFF;
	_ =	strace $0x9FFFFFFF  }
0xc2: {  	(tm) =	ssettm $0x7FFFFFFF  }
0xc3: {  	_ =	shalt  }
tec
execute0_lowered:
.L_overlay_start_1:
0x0: {  	(tag) =	ssettag $0x1  }
0x1: {  	s6 =	rddreg [dreg:$0x0]  }
0x2: {  	s1 =	rddreg [dreg:$0x1]  }
0x3: {  	s0 =	rddreg [dreg:$0x2]  }
0x4: {  	s2 =	simm.s32 $0x0;
	s3 =	srdreg.scid;
	s11 =	simm.s32 $0x6000  }
0x5: {  	s12 =	simm.s32 $0x7800;
	s13 =	simm.s32 $0x0;
	[smem:$0x7FF] =	sst s2  }
0x6: {  	s4 =	sadd.s32 $0x1C00, s6;
	s7 =	sand.u32 $0x1, s3;
	s5 =	sadd.s32 $0x381C00, s6  }
0x7: {  	s3 =	stileid.u32;
	s6 =	sadd.s32 $0x181C00, s6;
	s8 =	ssub.s32 $0x2, s7  }
0x8: {  	s10 =	sshll.u32 s3, $0xC;
	s7 =	sshll.u32 s7, $0xB;
	s9 =	sshrl.u32 s8, $0x1  }
0x9: {  	_ =	strace $0x80000047;
	s7 =	sor.u32 s7, s10;
	s8 =	ssub.s32 s8, s9  }
0xa: {  	v0 =	vimm.s32 $0x0;
	s10 =	simm.s32 $0x3000;
	s9 =	simm.s32 $0x1;
	s8 =	smax.u32 s8, $0x1  }
.LBB2_1:
0xb: {  	s14 =	simm.s32 $0x0  }
.LBB2_2:
0xc: {  	s15 =	sshll.u32 s14, $0x6  }
0xd: {  	s16 =	sadd.s32 s7, s15  }
0xe: {  	s17 =	smul.u32 $0x18, s16;
	_ =	sdelay $0x1  }
0xf: {  	s15 =	simm.s32 $0x0;
	s18 =	sadd.s32 s4, s17  }
0x10: {  	[tilespmem:s15], [sflag:$0x1] =	stream.linear.gather [hbm4b:s18+s15], $0x3000, $0x38;
	[tilespmem:$0x9000] =	vst v63  }
0x11: {  	_ =	swait.ge [sflag:s9], $0x3000  }
0x12: {  	[sflag:s9] =	ssyncset.done $0x0  }
0x13: {  	s17 =	sadd.s32 s5, s17;
	[sflag:s9] =	ssyncadd.s32 $0xFFFFD000  }
0x14: {  	[tilespmem:s10], [sflag:$0x1] =	stream.linear.gather [hbm4b:s17+s15], $0x3000, $0x38;
	[tilespmem:$0x9000] =	vst v63  }
0x15: {  	s16 =	smul.u32 $0xC, s16;
	_ =	swait.ge [sflag:s9], $0x3000  }
0x16: {  	[sflag:s9] =	ssyncset.done $0x0  }
0x17: {  	s31 =	sadd.s32 s1, s16;
	[sflag:s9] =	ssyncadd.s32 $0xFFFFD000  }
0x18: {  	[tilespmem:s11], [sflag:$0x1] =	stream.linear.gather [hbm4b:s31+s15], $0x1800, $0x38;
	[tilespmem:$0x9000] =	vst v63  }
0x19: {  	_ =	swait.ge [sflag:s9], $0x1800  }
0x1a: {  	[sflag:s9] =	ssyncset.done $0x0  }
0x1b: {  	s18 =	simm.s32 $0x7860;
	s17 =	simm.s32 $0x6060;
	[sflag:s9] =	ssyncadd.s32 $0xFFFFE800  }
.LBB2_3:
0x1c: {  	v1 =	vmov s15  }
0x1d: {  	v13 =	vld [tilespmem:s17+$0xFFFFFFA0];
	v1 =	vmul.u32 $0xC0, v1  }
0x1e: {  	v12 =	vld [tilespmem:s17+$0xFFFFFFB0]  }
0x1f: {  	v11 =	vld [tilespmem:s17+$0xFFFFFFC0];
	v14 =	vbroadcast v1, $0x0  }
0x20: {  	v10 =	vld [tilespmem:s17+$0xFFFFFFD0]  }
0x21: {  	v9 =	vld [tilespmem:s17+$0xFFFFFFE0];
	v1 =	vadd.s32 $0x80, v14  }
0x22: {  	v7 =	vld [tilespmem:s17+$0xFFFFFFF0]  }
0x23: {  	v6 =	vld [tilespmem:s17+$0x0];
	v2 =	vadd.s32 $0x140, v14  }
0x24: {  	v5 =	vld [tilespmem:s17+$0x10]  }
0x25: {  	v4 =	vld [tilespmem:s17+$0x20]  }
0x26: {  	v15 =	vld.idx.msk [tilespmem:v1+s2+$0x0], $0xffff  }
0x27: {  	v3 =	vld [tilespmem:s17+$0x30]  }
0x28: {  	v16 =	vld.idx.msk [tilespmem:v2+s2+$0x0], $0xffff  }
0x29: {  	v2 =	vld [tilespmem:s17+$0x40]  }
0x2a: {  	v1 =	vld [tilespmem:s17+$0x50]  }
0x2b: {  	v8 =	vadd.s32 $0xC0, v14;
	vm0 =	vle.f32 v15, v13;
	vm1 =	vle.f32 v15, v12  }
0x2c: {  	vm6 =	vle.f32 v15, v11;
	vm7 =	vle.f32 v15, v10;
	vm8 =	vle.f32 v15, v9  }
0x2d: {  	vm9 =	vle.f32 v15, v7;
	vm10 =	vle.f32 v16, v6;
	vm11 =	vle.f32 v16, v5  }
0x2e: {  	vm12 =	vle.f32 v16, v4;
	vm13 =	vle.f32 v16, v3;
	vm14 =	vle.f32 v16, v2  }
0x2f: {  	vm15 =	vle.f32 v16, v1;
	v17 =	vsel vm0, $0x80, v0;
	v18 =	vsel vm1, $0x80, v0  }
0x30: {  	v19 =	vsel vm6, $0x80, v0;
	v20 =	vsel vm7, $0x80, v0;
	v21 =	vsel vm8, $0x80, v0  }
0x31: {  	v15 =	vsel vm9, $0x80, v0;
	v22 =	vsel vm10, $0x80, v0;
	v23 =	vsel vm11, $0x80, v0  }
0x32: {  	v24 =	vsel vm12, $0x80, v0;
	v25 =	vsel vm13, $0x80, v0;
	v26 =	vsel vm14, $0x80, v0  }
0x33: {  	v16 =	vsel vm15, $0x80, v0;
	v27 =	vor.u32 $0x40, v17;
	v28 =	vor.u32 $0x40, v18  }
0x34: {  	v29 =	vor.u32 $0x40, v19;
	v30 =	vor.u32 $0x40, v20;
	v31 =	vor.u32 $0x40, v21  }
0x35: {  	v32 =	vor.u32 $0x40, v15;
	v33 =	vor.u32 $0x40, v22;
	v34 =	vor.u32 $0x40, v23  }
0x36: {  	v35 =	vor.u32 $0x40, v24;
	v36 =	vor.u32 $0x40, v25;
	v37 =	vor.u32 $0x40, v26  }
0x37: {  	v38 =	vor.u32 $0x40, v16;
	v39 =	vmin.u32 v27, $0xBF;
	v40 =	vmin.u32 v28, $0xBF  }
0x38: {  	v41 =	vmin.u32 v29, $0xBF;
	v42 =	vmin.u32 v30, $0xBF;
	v43 =	vmin.u32 v31, $0xBF  }
0x39: {  	v44 =	vmin.u32 v32, $0xBF;
	v45 =	vmin.u32 v33, $0xBF;
	v46 =	vmin.u32 v34, $0xBF  }
0x3a: {  	v47 =	vmin.u32 v35, $0xBF;
	v48 =	vmin.u32 v36, $0xBF;
	v50 =	vand.u32 $0xF8, v39  }
0x3b: {  	v39 =	vand.u32 $0x7, v39;
	v51 =	vand.u32 $0xF8, v40;
	v40 =	vand.u32 $0x7, v40  }
0x3c: {  	v54 =	vand.u32 $0xF8, v41;
	v41 =	vand.u32 $0x7, v41;
	v55 =	vand.u32 $0xF8, v42  }
0x3d: {  	v42 =	vand.u32 $0x7, v42;
	v57 =	vand.u32 $0xF8, v44;
	v50 =	vadd.s32 v14, v50  }
0x3e: {  	v44 =	vand.u32 $0x7, v44;
	v51 =	vadd.s32 v14, v51;
	v39 =	vor.u32 v39, v50  }
0x3f: {  	v53 =	vand.u32 $0xF8, v46;
	v58 =	vadd.s32 v14, v57;
	v40 =	vor.u32 v40, v51  }
0x40: {  	v46 =	vand.u32 $0x7, v46;
	v53 =	vadd.s32 v8, v53;
	v44 =	vor.u32 v44, v58  }
0x41: {  	v56 =	vand.u32 $0xF8, v43;
	v50 =	vadd.s32 v14, v54;
	v46 =	vor.u32 v46, v53  }
0x42: {  	v43 =	vand.u32 $0x7, v43;
	v51 =	vadd.s32 v14, v55;
	v41 =	vor.u32 v41, v50  }
0x43: {  	v59 =	vand.u32 $0xF8, v45;
	v42 =	vor.u32 v42, v51;
	v50 =	vadd.s32 v14, v56;
	v39 =	vld.idx.msk [tilespmem:v39+s2+$0x0], $0xffff  }
0x44: {  	v45 =	vand.u32 $0x7, v45;
	v51 =	vadd.s32 v8, v59;
	v43 =	vor.u32 v43, v50;
	v40 =	vld.idx.msk [tilespmem:v40+s2+$0x0], $0xffff  }
0x45: {  	v49 =	vmin.u32 v37, $0xBF;
	v60 =	vand.u32 $0xF8, v47;
	v45 =	vor.u32 v45, v51;
	v44 =	vld.idx.msk [tilespmem:v44+s2+$0x0], $0xffff  }
0x46: {  	v47 =	vand.u32 $0x7, v47;
	v61 =	vand.u32 $0xF8, v48;
	v50 =	vadd.s32 v8, v60;
	v46 =	vld.idx.msk [tilespmem:v46+s2+$0x0], $0xffff  }
0x47: {  	v48 =	vand.u32 $0x7, v48;
	v51 =	vadd.s32 v8, v61;
	v47 =	vor.u32 v47, v50;
	v41 =	vld.idx.msk [tilespmem:v41+s2+$0x0], $0xffff  }
0x48: {  	v52 =	vmin.u32 v38, $0xBF;
	v62 =	vand.u32 $0xF8, v49;
	v48 =	vor.u32 v48, v51;
	v42 =	vld.idx.msk [tilespmem:v42+s2+$0x0], $0xffff  }
0x49: {  	v49 =	vand.u32 $0x7, v49;
	v63 =	vand.u32 $0xF8, v52;
	v50 =	vadd.s32 v8, v62;
	v43 =	vld.idx.msk [tilespmem:v43+s2+$0x0], $0xffff  }
0x4a: {  	v54 =	vand.u32 $0x7, v52;
	v51 =	vadd.s32 v8, v63;
	v49 =	vor.u32 v49, v50;
	v45 =	vld.idx.msk [tilespmem:v45+s2+$0x0], $0xffff  }
0x4b: {  	v50 =	vor.u32 v54, v51;
	vm4 =	vle.f32 v39, v13;
	vm5 =	vle.f32 v40, v12  }
0x4c: {  	v47 =	vld.idx.msk [tilespmem:v47+s2+$0x0], $0xffff;
	vm9 =	vle.f32 v44, v7;
	vm11 =	vle.f32 v46, v5;
	v17 =	vsel vm4, v27, v17  }
0x4d: {  	v48 =	vld.idx.msk [tilespmem:v48+s2+$0x0], $0xffff;
	v18 =	vsel vm5, v28, v18;
	vm6 =	vle.f32 v41, v11;
	vm7 =	vle.f32 v42, v10  }
0x4e: {  	v15 =	vsel vm9, v32, v15;
	v23 =	vsel vm11, v34, v23;
	v19 =	vsel vm6, v29, v19  }
0x4f: {  	v55 =	vld.idx.msk [tilespmem:v49+s2+$0x0], $0xffff;
	vm8 =	vle.f32 v43, v9;
	v20 =	vsel vm7, v30, v20;
	vm10 =	vle.f32 v45, v6  }
0x50: {  	v56 =	vld.idx.msk [tilespmem:v50+s2+$0x0], $0xffff;
	v27 =	vor.u32 $0x20, v17;
	v28 =	vor.u32 $0x20, v18;
	v32 =	vor.u32 $0x20, v15  }
0x51: {  	v34 =	vor.u32 $0x20, v23;
	v21 =	vsel vm8, v31, v21;
	v22 =	vsel vm10, v33, v22  }
0x52: {  	vm12 =	vle.f32 v47, v4;
	vm13 =	vle.f32 v48, v3;
	v29 =	vor.u32 $0x20, v19  }
0x53: {  	v30 =	vor.u32 $0x20, v20;
	v57 =	vmin.u32 v27, $0xBF;
	v58 =	vmin.u32 v28, $0xBF  }
0x54: {  	v62 =	vmin.u32 v32, $0xBF;
	v46 =	vmin.u32 v34, $0xBF;
	v24 =	vsel vm12, v35, v24  }
0x55: {  	vm14 =	vle.f32 v55, v2;
	v25 =	vsel vm13, v36, v25;
	vm15 =	vle.f32 v56, v1  }
0x56: {  	v31 =	vor.u32 $0x20, v21;
	v33 =	vor.u32 $0x20, v22;
	v59 =	vmin.u32 v29, $0xBF  }
0x57: {  	v60 =	vmin.u32 v30, $0xBF;
	v55 =	vand.u32 $0xF8, v57;
	v39 =	vand.u32 $0x7, v57  }
0x58: {  	v56 =	vand.u32 $0xF8, v58;
	v40 =	vand.u32 $0x7, v58;
	v44 =	vand.u32 $0x7, v62  }
0x59: {  	v26 =	vsel vm14, v37, v26;
	v16 =	vsel vm15, v38, v16;
	v35 =	vor.u32 $0x20, v24  }
0x5a: {  	v36 =	vor.u32 $0x20, v25;
	v61 =	vmin.u32 v31, $0xBF;
	v63 =	vmin.u32 v33, $0xBF  }
0x5b: {  	v50 =	vadd.s32 v14, v55;
	v51 =	vadd.s32 v14, v56;
	v57 =	vand.u32 $0xF8, v59  }
0x5c: {  	v41 =	vand.u32 $0x7, v59;
	v58 =	vand.u32 $0xF8, v60;
	v42 =	vand.u32 $0x7, v60  }
0x5d: {  	v60 =	vand.u32 $0xF8, v62;
	v37 =	vor.u32 $0x20, v26;
	v38 =	vor.u32 $0x20, v16  }
0x5e: {  	v47 =	vmin.u32 v35, $0xBF;
	v48 =	vmin.u32 v36, $0xBF;
	v39 =	vor.u32 v39, v50  }
0x5f: {  	v40 =	vor.u32 v40, v51;
	v50 =	vadd.s32 v14, v57;
	v51 =	vadd.s32 v14, v58  }
0x60: {  	v59 =	vand.u32 $0xF8, v61;
	v43 =	vand.u32 $0x7, v61;
	v61 =	vadd.s32 v14, v60  }
0x61: {  	v62 =	vand.u32 $0xF8, v63;
	v45 =	vand.u32 $0x7, v63;
	v41 =	vor.u32 v41, v50  }
0x62: {  	v63 =	vand.u32 $0xF8, v46;
	v46 =	vand.u32 $0x7, v46;
	v42 =	vor.u32 v42, v51  }
0x63: {  	v49 =	vmin.u32 v37, $0xBF;
	v50 =	vadd.s32 v14, v59;
	v44 =	vor.u32 v44, v61  }
0x64: {  	v51 =	vadd.s32 v8, v62;
	v53 =	vadd.s32 v8, v63;
	v43 =	vor.u32 v43, v50;
	v39 =	vld.idx.msk [tilespmem:v39+s2+$0x0], $0xffff  }
0x65: {  	v54 =	vand.u32 $0xF8, v47;
	v47 =	vand.u32 $0x7, v47;
	v45 =	vor.u32 v45, v51;
	v40 =	vld.idx.msk [tilespmem:v40+s2+$0x0], $0xffff  }
0x66: {  	v55 =	vand.u32 $0xF8, v48;
	v46 =	vor.u32 v46, v53;
	v50 =	vadd.s32 v8, v54;
	v41 =	vld.idx.msk [tilespmem:v41+s2+$0x0], $0xffff  }
0x67: {  	v48 =	vand.u32 $0x7, v48;
	v51 =	vadd.s32 v8, v55;
	v47 =	vor.u32 v47, v50;
	v42 =	vld.idx.msk [tilespmem:v42+s2+$0x0], $0xffff  }
0x68: {  	v52 =	vmin.u32 v38, $0xBF;
	v56 =	vand.u32 $0xF8, v49;
	v48 =	vor.u32 v48, v51;
	v44 =	vld.idx.msk [tilespmem:v44+s2+$0x0], $0xffff  }
0x69: {  	v49 =	vand.u32 $0x7, v49;
	v57 =	vand.u32 $0xF8, v52;
	v50 =	vadd.s32 v8, v56;
	v43 =	vld.idx.msk [tilespmem:v43+s2+$0x0], $0xffff  }
0x6a: {  	v58 =	vand.u32 $0x7, v52;
	v51 =	vadd.s32 v8, v57;
	v49 =	vor.u32 v49, v50;
	v45 =	vld.idx.msk [tilespmem:v45+s2+$0x0], $0xffff  }
0x6b: {  	v50 =	vor.u32 v58, v51;
	v46 =	vld.idx.msk [tilespmem:v46+s2+$0x0], $0xffff  }
0x6c: {  	v47 =	vld.idx.msk [tilespmem:v47+s2+$0x0], $0xffff;
	vm4 =	vle.f32 v39, v13;
	vm5 =	vle.f32 v40, v12  }
0x6d: {  	v48 =	vld.idx.msk [tilespmem:v48+s2+$0x0], $0xffff;
	v17 =	vsel vm4, v27, v17;
	v18 =	vsel vm5, v28, v18;
	vm6 =	vle.f32 v41, v11  }
0x6e: {  	vm7 =	vle.f32 v42, v10;
	vm9 =	vle.f32 v44, v7;
	v19 =	vsel vm6, v29, v19  }
0x6f: {  	v59 =	vld.idx.msk [tilespmem:v49+s2+$0x0], $0xffff;
	vm8 =	vle.f32 v43, v9;
	v20 =	vsel vm7, v30, v20;
	v15 =	vsel vm9, v32, v15  }
0x70: {  	v60 =	vld.idx.msk [tilespmem:v50+s2+$0x0], $0xffff;
	vm10 =	vle.f32 v45, v6;
	vm11 =	vle.f32 v46, v5;
	v27 =	vor.u32 $0x10, v17  }
0x71: {  	v28 =	vor.u32 $0x10, v18;
	v21 =	vsel vm8, v31, v21;
	v22 =	vsel vm10, v33, v22  }
0x72: {  	v23 =	vsel vm11, v34, v23;
	vm12 =	vle.f32 v47, v4;
	vm13 =	vle.f32 v48, v3  }
0x73: {  	v29 =	vor.u32 $0x10, v19;
	v30 =	vor.u32 $0x10, v20;
	v32 =	vor.u32 $0x10, v15  }
0x74: {  	v61 =	vmin.u32 v27, $0xBF;
	v62 =	vmin.u32 v28, $0xBF;
	v24 =	vsel vm12, v35, v24  }
0x75: {  	vm14 =	vle.f32 v59, v2;
	v25 =	vsel vm13, v36, v25;
	vm15 =	vle.f32 v60, v1  }
0x76: {  	v31 =	vor.u32 $0x10, v21;
	v33 =	vor.u32 $0x10, v22;
	v34 =	vor.u32 $0x10, v23  }
0x77: {  	v63 =	vmin.u32 v29, $0xBF;
	v42 =	vmin.u32 v30, $0xBF;
	v57 =	vmin.u32 v32, $0xBF  }
0x78: {  	v60 =	vand.u32 $0xF8, v61;
	v39 =	vand.u32 $0x7, v61;
	v61 =	vand.u32 $0xF8, v62  }
0x79: {  	v40 =	vand.u32 $0x7, v62;
	v26 =	vsel vm14, v37, v26;
	v16 =	vsel vm15, v38, v16  }
0x7a: {  	v35 =	vor.u32 $0x10, v24;
	v36 =	vor.u32 $0x10, v25;
	v56 =	vmin.u32 v31, $0xBF  }
0x7b: {  	v58 =	vmin.u32 v33, $0xBF;
	v59 =	vmin.u32 v34, $0xBF;
	v50 =	vadd.s32 v14, v60  }
0x7c: {  	v51 =	vadd.s32 v14, v61;
	v62 =	vand.u32 $0xF8, v63;
	v41 =	vand.u32 $0x7, v63  }
0x7d: {  	v63 =	vand.u32 $0xF8, v42;
	v42 =	vand.u32 $0x7, v42;
	v55 =	vand.u32 $0xF8, v57  }
0x7e: {  	v44 =	vand.u32 $0x7, v57;
	v37 =	vor.u32 $0x10, v26;
	v38 =	vor.u32 $0x10, v16  }
0x7f: {  	v47 =	vmin.u32 v35, $0xBF;
	v48 =	vmin.u32 v36, $0xBF;
	v39 =	vor.u32 v39, v50  }
0x80: {  	v40 =	vor.u32 v40, v51;
	v50 =	vadd.s32 v14, v62;
	v51 =	vadd.s32 v14, v63  }
0x81: {  	v54 =	vand.u32 $0xF8, v56;
	v43 =	vand.u32 $0x7, v56;
	v56 =	vadd.s32 v14, v55  }
0x82: {  	v57 =	vand.u32 $0xF8, v58;
	v45 =	vand.u32 $0x7, v58;
	v41 =	vor.u32 v41, v50  }
0x83: {  	v58 =	vand.u32 $0xF8, v59;
	v46 =	vand.u32 $0x7, v59;
	v42 =	vor.u32 v42, v51  }
0x84: {  	v49 =	vmin.u32 v37, $0xBF;
	v50 =	vadd.s32 v14, v54;
	v44 =	vor.u32 v44, v56  }
0x85: {  	v51 =	vadd.s32 v8, v57;
	v53 =	vadd.s32 v8, v58;
	v43 =	vor.u32 v43, v50;
	v39 =	vld.idx.msk [tilespmem:v39+s2+$0x0], $0xffff  }
0x86: {  	v59 =	vand.u32 $0xF8, v47;
	v47 =	vand.u32 $0x7, v47;
	v45 =	vor.u32 v45, v51;
	v40 =	vld.idx.msk [tilespmem:v40+s2+$0x0], $0xffff  }
0x87: {  	v60 =	vand.u32 $0xF8, v48;
	v46 =	vor.u32 v46, v53;
	v50 =	vadd.s32 v8, v59;
	v41 =	vld.idx.msk [tilespmem:v41+s2+$0x0], $0xffff  }
0x88: {  	v48 =	vand.u32 $0x7, v48;
	v51 =	vadd.s32 v8, v60;
	v47 =	vor.u32 v47, v50;
	v42 =	vld.idx.msk [tilespmem:v42+s2+$0x0], $0xffff  }
0x89: {  	v52 =	vmin.u32 v38, $0xBF;
	v61 =	vand.u32 $0xF8, v49;
	v48 =	vor.u32 v48, v51;
	v44 =	vld.idx.msk [tilespmem:v44+s2+$0x0], $0xffff  }
0x8a: {  	v49 =	vand.u32 $0x7, v49;
	v62 =	vand.u32 $0xF8, v52;
	v50 =	vadd.s32 v8, v61;
	v43 =	vld.idx.msk [tilespmem:v43+s2+$0x0], $0xffff  }
0x8b: {  	v63 =	vand.u32 $0x7, v52;
	v51 =	vadd.s32 v8, v62;
	v49 =	vor.u32 v49, v50;
	v45 =	vld.idx.msk [tilespmem:v45+s2+$0x0], $0xffff  }
0x8c: {  	v50 =	vor.u32 v63, v51;
	v46 =	vld.idx.msk [tilespmem:v46+s2+$0x0], $0xffff  }
0x8d: {  	v47 =	vld.idx.msk [tilespmem:v47+s2+$0x0], $0xffff;
	vm4 =	vle.f32 v39, v13;
	vm5 =	vle.f32 v40, v12  }
0x8e: {  	v48 =	vld.idx.msk [tilespmem:v48+s2+$0x0], $0xffff;
	v17 =	vsel vm4, v27, v17;
	v18 =	vsel vm5, v28, v18;
	vm6 =	vle.f32 v41, v11  }
0x8f: {  	vm7 =	vle.f32 v42, v10;
	vm9 =	vle.f32 v44, v7;
	v19 =	vsel vm6, v29, v19  }
0x90: {  	v52 =	vld.idx.msk [tilespmem:v49+s2+$0x0], $0xffff;
	vm8 =	vle.f32 v43, v9;
	v20 =	vsel vm7, v30, v20;
	v15 =	vsel vm9, v32, v15  }
0x91: {  	v53 =	vld.idx.msk [tilespmem:v50+s2+$0x0], $0xffff;
	vm10 =	vle.f32 v45, v6;
	vm11 =	vle.f32 v46, v5;
	v27 =	vadd.s32 $0x8, v17  }
0x92: {  	v28 =	vadd.s32 $0x8, v18;
	v21 =	vsel vm8, v31, v21;
	v22 =	vsel vm10, v33, v22  }
0x93: {  	v23 =	vsel vm11, v34, v23;
	vm12 =	vle.f32 v47, v4;
	vm13 =	vle.f32 v48, v3  }
0x94: {  	v29 =	vadd.s32 $0x8, v19;
	v30 =	vadd.s32 $0x8, v20;
	v32 =	vadd.s32 $0x8, v15  }
0x95: {  	v54 =	vmin.u32 v27, $0xBF;
	v55 =	vmin.u32 v28, $0xBF;
	v24 =	vsel vm12, v35, v24  }
0x96: {  	vm14 =	vle.f32 v52, v2;
	v25 =	vsel vm13, v36, v25;
	vm15 =	vle.f32 v53, v1  }
0x97: {  	v31 =	vadd.s32 $0x8, v21;
	v33 =	vadd.s32 $0x8, v22;
	v34 =	vadd.s32 $0x8, v23  }
0x98: {  	v41 =	vmin.u32 v29, $0xBF;
	v56 =	vmin.u32 v30, $0xBF;
	v58 =	vmin.u32 v32, $0xBF  }
0x99: {  	v61 =	vand.u32 $0xF8, v54;
	v39 =	vand.u32 $0x7, v54;
	v62 =	vand.u32 $0xF8, v55  }
0x9a: {  	v40 =	vand.u32 $0x7, v55;
	v26 =	vsel vm14, v37, v26;
	v16 =	vsel vm15, v38, v16  }
0x9b: {  	v35 =	vadd.s32 $0x8, v24;
	v36 =	vadd.s32 $0x8, v25;
	v57 =	vmin.u32 v31, $0xBF  }
0x9c: {  	v59 =	vmin.u32 v33, $0xBF;
	v60 =	vmin.u32 v34, $0xBF;
	v50 =	vadd.s32 v14, v61  }
0x9d: {  	v51 =	vadd.s32 v14, v62;
	v63 =	vand.u32 $0xF8, v41;
	v41 =	vand.u32 $0x7, v41  }
0x9e: {  	v54 =	vand.u32 $0xF8, v56;
	v42 =	vand.u32 $0x7, v56;
	v56 =	vand.u32 $0xF8, v58  }
0x9f: {  	v44 =	vand.u32 $0x7, v58;
	v37 =	vadd.s32 $0x8, v26;
	v38 =	vadd.s32 $0x8, v16  }
0xa0: {  	v47 =	vmin.u32 v35, $0xBF;
	v48 =	vmin.u32 v36, $0xBF;
	v39 =	vor.u32 v39, v50  }
0xa1: {  	v40 =	vor.u32 v40, v51;
	v50 =	vadd.s32 v14, v63;
	v51 =	vadd.s32 v14, v54  }
0xa2: {  	v55 =	vand.u32 $0xF8, v57;
	v43 =	vand.u32 $0x7, v57;
	v57 =	vadd.s32 v14, v56  }
0xa3: {  	v58 =	vand.u32 $0xF8, v59;
	v45 =	vand.u32 $0x7, v59;
	v41 =	vor.u32 v41, v50  }
0xa4: {  	v59 =	vand.u32 $0xF8, v60;
	v46 =	vand.u32 $0x7, v60;
	v42 =	vor.u32 v42, v51  }
0xa5: {  	v49 =	vmin.u32 v37, $0xBF;
	v50 =	vadd.s32 v14, v55;
	v44 =	vor.u32 v44, v57  }
0xa6: {  	v51 =	vadd.s32 v8, v58;
	v53 =	vadd.s32 v8, v59;
	v43 =	vor.u32 v43, v50;
	v39 =	vld.idx.msk [tilespmem:v39+s2+$0x0], $0xffff  }
0xa7: {  	v60 =	vand.u32 $0xF8, v47;
	v47 =	vand.u32 $0x7, v47;
	v45 =	vor.u32 v45, v51;
	v40 =	vld.idx.msk [tilespmem:v40+s2+$0x0], $0xffff  }
0xa8: {  	v61 =	vand.u32 $0xF8, v48;
	v46 =	vor.u32 v46, v53;
	v50 =	vadd.s32 v8, v60;
	v41 =	vld.idx.msk [tilespmem:v41+s2+$0x0], $0xffff  }
0xa9: {  	v48 =	vand.u32 $0x7, v48;
	v51 =	vadd.s32 v8, v61;
	v47 =	vor.u32 v47, v50;
	v42 =	vld.idx.msk [tilespmem:v42+s2+$0x0], $0xffff  }
0xaa: {  	v52 =	vmin.u32 v38, $0xBF;
	v62 =	vand.u32 $0xF8, v49;
	v48 =	vor.u32 v48, v51;
	v44 =	vld.idx.msk [tilespmem:v44+s2+$0x0], $0xffff  }
0xab: {  	v49 =	vand.u32 $0x7, v49;
	v63 =	vand.u32 $0xF8, v52;
	v50 =	vadd.s32 v8, v62;
	v43 =	vld.idx.msk [tilespmem:v43+s2+$0x0], $0xffff  }
0xac: {  	v54 =	vand.u32 $0x7, v52;
	v51 =	vadd.s32 v8, v63;
	v49 =	vor.u32 v49, v50;
	v45 =	vld.idx.msk [tilespmem:v45+s2+$0x0], $0xffff  }
0xad: {  	v50 =	vor.u32 v54, v51;
	v46 =	vld.idx.msk [tilespmem:v46+s2+$0x0], $0xffff  }
0xae: {  	v47 =	vld.idx.msk [tilespmem:v47+s2+$0x0], $0xffff;
	vm4 =	vle.f32 v39, v13;
	vm5 =	vle.f32 v40, v12  }
0xaf: {  	v48 =	vld.idx.msk [tilespmem:v48+s2+$0x0], $0xffff;
	v17 =	vsel vm4, v27, v17;
	v18 =	vsel vm5, v28, v18;
	vm6 =	vle.f32 v41, v11  }
0xb0: {  	vm7 =	vle.f32 v42, v10;
	vm9 =	vle.f32 v44, v7;
	v19 =	vsel vm6, v29, v19  }
0xb1: {  	v55 =	vld.idx.msk [tilespmem:v49+s2+$0x0], $0xffff;
	vm8 =	vle.f32 v43, v9;
	v20 =	vsel vm7, v30, v20;
	v15 =	vsel vm9, v32, v15  }
0xb2: {  	v56 =	vld.idx.msk [tilespmem:v50+s2+$0x0], $0xffff;
	vm10 =	vle.f32 v45, v6;
	vm11 =	vle.f32 v46, v5;
	v27 =	vadd.s32 $0x4, v17  }
0xb3: {  	v28 =	vadd.s32 $0x4, v18;
	v21 =	vsel vm8, v31, v21;
	v22 =	vsel vm10, v33, v22  }
0xb4: {  	v23 =	vsel vm11, v34, v23;
	vm12 =	vle.f32 v47, v4;
	vm13 =	vle.f32 v48, v3  }
0xb5: {  	v29 =	vadd.s32 $0x4, v19;
	v30 =	vadd.s32 $0x4, v20;
	v32 =	vadd.s32 $0x4, v15  }
0xb6: {  	v57 =	vmin.u32 v27, $0xBF;
	v58 =	vmin.u32 v28, $0xBF;
	v24 =	vsel vm12, v35, v24  }
0xb7: {  	vm14 =	vle.f32 v55, v2;
	v25 =	vsel vm13, v36, v25;
	vm15 =	vle.f32 v56, v1  }
0xb8: {  	v31 =	vadd.s32 $0x4, v21;
	v33 =	vadd.s32 $0x4, v22;
	v34 =	vadd.s32 $0x4, v23  }
0xb9: {  	v59 =	vmin.u32 v29, $0xBF;
	v60 =	vmin.u32 v30, $0xBF;
	v62 =	vmin.u32 v32, $0xBF  }
0xba: {  	v55 =	vand.u32 $0xF8, v57;
	v39 =	vand.u32 $0x7, v57;
	v56 =	vand.u32 $0xF8, v58  }
0xbb: {  	v40 =	vand.u32 $0x7, v58;
	v26 =	vsel vm14, v37, v26;
	v16 =	vsel vm15, v38, v16  }
0xbc: {  	v35 =	vadd.s32 $0x4, v24;
	v36 =	vadd.s32 $0x4, v25;
	v61 =	vmin.u32 v31, $0xBF  }
0xbd: {  	v63 =	vmin.u32 v33, $0xBF;
	v46 =	vmin.u32 v34, $0xBF;
	v50 =	vadd.s32 v14, v55  }
0xbe: {  	v51 =	vadd.s32 v14, v56;
	v57 =	vand.u32 $0xF8, v59;
	v41 =	vand.u32 $0x7, v59  }
0xbf: {  	v58 =	vand.u32 $0xF8, v60;
	v42 =	vand.u32 $0x7, v60;
	v60 =	vand.u32 $0xF8, v62  }
0xc0: {  	v44 =	vand.u32 $0x7, v62;
	v37 =	vadd.s32 $0x4, v26;
	v38 =	vadd.s32 $0x4, v16  }
0xc1: {  	v47 =	vmin.u32 v35, $0xBF;
	v48 =	vmin.u32 v36, $0xBF;
	v39 =	vor.u32 v39, v50  }
0xc2: {  	v40 =	vor.u32 v40, v51;
	v50 =	vadd.s32 v14, v57;
	v51 =	vadd.s32 v14, v58  }
0xc3: {  	v59 =	vand.u32 $0xF8, v61;
	v43 =	vand.u32 $0x7, v61;
	v61 =	vadd.s32 v14, v60  }
0xc4: {  	v62 =	vand.u32 $0xF8, v63;
	v45 =	vand.u32 $0x7, v63;
	v41 =	vor.u32 v41, v50  }
0xc5: {  	v63 =	vand.u32 $0xF8, v46;
	v46 =	vand.u32 $0x7, v46;
	v42 =	vor.u32 v42, v51  }
0xc6: {  	v49 =	vmin.u32 v37, $0xBF;
	v50 =	vadd.s32 v14, v59;
	v44 =	vor.u32 v44, v61  }
0xc7: {  	v51 =	vadd.s32 v8, v62;
	v53 =	vadd.s32 v8, v63;
	v43 =	vor.u32 v43, v50;
	v39 =	vld.idx.msk [tilespmem:v39+s2+$0x0], $0xffff  }
0xc8: {  	v54 =	vand.u32 $0xF8, v47;
	v47 =	vand.u32 $0x7, v47;
	v45 =	vor.u32 v45, v51;
	v40 =	vld.idx.msk [tilespmem:v40+s2+$0x0], $0xffff  }
0xc9: {  	v55 =	vand.u32 $0xF8, v48;
	v46 =	vor.u32 v46, v53;
	v50 =	vadd.s32 v8, v54;
	v41 =	vld.idx.msk [tilespmem:v41+s2+$0x0], $0xffff  }
0xca: {  	v48 =	vand.u32 $0x7, v48;
	v51 =	vadd.s32 v8, v55;
	v47 =	vor.u32 v47, v50;
	v42 =	vld.idx.msk [tilespmem:v42+s2+$0x0], $0xffff  }
0xcb: {  	v52 =	vmin.u32 v38, $0xBF;
	v56 =	vand.u32 $0xF8, v49;
	v48 =	vor.u32 v48, v51;
	v44 =	vld.idx.msk [tilespmem:v44+s2+$0x0], $0xffff  }
0xcc: {  	v49 =	vand.u32 $0x7, v49;
	v57 =	vand.u32 $0xF8, v52;
	v50 =	vadd.s32 v8, v56;
	v43 =	vld.idx.msk [tilespmem:v43+s2+$0x0], $0xffff  }
0xcd: {  	v58 =	vand.u32 $0x7, v52;
	v51 =	vadd.s32 v8, v57;
	v49 =	vor.u32 v49, v50;
	v45 =	vld.idx.msk [tilespmem:v45+s2+$0x0], $0xffff  }
0xce: {  	v50 =	vor.u32 v58, v51;
	v46 =	vld.idx.msk [tilespmem:v46+s2+$0x0], $0xffff  }
0xcf: {  	v47 =	vld.idx.msk [tilespmem:v47+s2+$0x0], $0xffff;
	vm4 =	vle.f32 v39, v13;
	vm5 =	vle.f32 v40, v12  }
0xd0: {  	v48 =	vld.idx.msk [tilespmem:v48+s2+$0x0], $0xffff;
	v17 =	vsel vm4, v27, v17;
	v18 =	vsel vm5, v28, v18;
	vm6 =	vle.f32 v41, v11  }
0xd1: {  	vm7 =	vle.f32 v42, v10;
	vm9 =	vle.f32 v44, v7;
	v19 =	vsel vm6, v29, v19  }
0xd2: {  	v59 =	vld.idx.msk [tilespmem:v49+s2+$0x0], $0xffff;
	vm8 =	vle.f32 v43, v9;
	v20 =	vsel vm7, v30, v20;
	v15 =	vsel vm9, v32, v15  }
0xd3: {  	v60 =	vld.idx.msk [tilespmem:v50+s2+$0x0], $0xffff;
	vm10 =	vle.f32 v45, v6;
	vm11 =	vle.f32 v46, v5;
	v27 =	vadd.s32 $0x2, v17  }
0xd4: {  	v28 =	vadd.s32 $0x2, v18;
	v21 =	vsel vm8, v31, v21;
	v22 =	vsel vm10, v33, v22  }
0xd5: {  	v23 =	vsel vm11, v34, v23;
	vm12 =	vle.f32 v47, v4;
	vm13 =	vle.f32 v48, v3  }
0xd6: {  	v29 =	vadd.s32 $0x2, v19;
	v30 =	vadd.s32 $0x2, v20;
	v32 =	vadd.s32 $0x2, v15  }
0xd7: {  	v61 =	vmin.u32 v27, $0xBF;
	v62 =	vmin.u32 v28, $0xBF;
	v24 =	vsel vm12, v35, v24  }
0xd8: {  	vm14 =	vle.f32 v59, v2;
	v25 =	vsel vm13, v36, v25;
	vm15 =	vle.f32 v60, v1  }
0xd9: {  	v31 =	vadd.s32 $0x2, v21;
	v33 =	vadd.s32 $0x2, v22;
	v34 =	vadd.s32 $0x2, v23  }
0xda: {  	v63 =	vmin.u32 v29, $0xBF;
	v42 =	vmin.u32 v30, $0xBF;
	v57 =	vmin.u32 v32, $0xBF  }
0xdb: {  	v60 =	vand.u32 $0xF8, v61;
	v39 =	vand.u32 $0x7, v61;
	v61 =	vand.u32 $0xF8, v62  }
0xdc: {  	v40 =	vand.u32 $0x7, v62;
	v26 =	vsel vm14, v37, v26;
	v16 =	vsel vm15, v38, v16  }
0xdd: {  	v35 =	vadd.s32 $0x2, v24;
	v36 =	vadd.s32 $0x2, v25;
	v56 =	vmin.u32 v31, $0xBF  }
0xde: {  	v58 =	vmin.u32 v33, $0xBF;
	v59 =	vmin.u32 v34, $0xBF;
	v50 =	vadd.s32 v14, v60  }
0xdf: {  	v51 =	vadd.s32 v14, v61;
	v62 =	vand.u32 $0xF8, v63;
	v41 =	vand.u32 $0x7, v63  }
0xe0: {  	v63 =	vand.u32 $0xF8, v42;
	v42 =	vand.u32 $0x7, v42;
	v55 =	vand.u32 $0xF8, v57  }
0xe1: {  	v44 =	vand.u32 $0x7, v57;
	v37 =	vadd.s32 $0x2, v26;
	v38 =	vadd.s32 $0x2, v16  }
0xe2: {  	v47 =	vmin.u32 v35, $0xBF;
	v48 =	vmin.u32 v36, $0xBF;
	v39 =	vor.u32 v39, v50  }
0xe3: {  	v40 =	vor.u32 v40, v51;
	v50 =	vadd.s32 v14, v62;
	v51 =	vadd.s32 v14, v63  }
0xe4: {  	v54 =	vand.u32 $0xF8, v56;
	v43 =	vand.u32 $0x7, v56;
	v56 =	vadd.s32 v14, v55  }
0xe5: {  	v57 =	vand.u32 $0xF8, v58;
	v45 =	vand.u32 $0x7, v58;
	v58 =	vand.u32 $0xF8, v59  }
0xe6: {  	v46 =	vand.u32 $0x7, v59;
	v49 =	vmin.u32 v37, $0xBF;
	v41 =	vor.u32 v41, v50  }
0xe7: {  	v52 =	vmin.u32 v38, $0xBF;
	v42 =	vor.u32 v42, v51;
	v50 =	vadd.s32 v14, v54  }
0xe8: {  	v51 =	vadd.s32 v8, v57;
	v53 =	vadd.s32 v8, v58;
	v44 =	vor.u32 v44, v56  }
0xe9: {  	v59 =	vand.u32 $0xF8, v47;
	v47 =	vand.u32 $0x7, v47;
	v43 =	vor.u32 v43, v50;
	v39 =	vld.idx.msk [tilespmem:v39+s2+$0x0], $0xffff  }
0xea: {  	v60 =	vand.u32 $0xF8, v48;
	v48 =	vand.u32 $0x7, v48;
	v45 =	vor.u32 v45, v51;
	v40 =	vld.idx.msk [tilespmem:v40+s2+$0x0], $0xffff  }
0xeb: {  	v46 =	vor.u32 v46, v53;
	v50 =	vadd.s32 v8, v59;
	v51 =	vadd.s32 v8, v60;
	v41 =	vld.idx.msk [tilespmem:v41+s2+$0x0], $0xffff  }
0xec: {  	v61 =	vand.u32 $0xF8, v49;
	v49 =	vand.u32 $0x7, v49;
	v47 =	vor.u32 v47, v50;
	v42 =	vld.idx.msk [tilespmem:v42+s2+$0x0], $0xffff  }
0xed: {  	v62 =	vand.u32 $0xF8, v52;
	v48 =	vor.u32 v48, v51;
	v50 =	vadd.s32 v8, v61;
	v44 =	vld.idx.msk [tilespmem:v44+s2+$0x0], $0xffff  }
0xee: {  	v63 =	vand.u32 $0x7, v52;
	v51 =	vadd.s32 v8, v62;
	v49 =	vor.u32 v49, v50;
	v43 =	vld.idx.msk [tilespmem:v43+s2+$0x0], $0xffff  }
0xef: {  	v50 =	vor.u32 v63, v51;
	v45 =	vld.idx.msk [tilespmem:v45+s2+$0x0], $0xffff  }
0xf0: {  	v46 =	vld.idx.msk [tilespmem:v46+s2+$0x0], $0xffff;
	vm4 =	vle.f32 v39, v13  }
0xf1: {  	v47 =	vld.idx.msk [tilespmem:v47+s2+$0x0], $0xffff;
	vm5 =	vle.f32 v40, v12;
	v17 =	vsel vm4, v27, v17  }
0xf2: {  	v48 =	vld.idx.msk [tilespmem:v48+s2+$0x0], $0xffff;
	v18 =	vsel vm5, v28, v18;
	vm6 =	vle.f32 v41, v11;
	vm7 =	vle.f32 v42, v10  }
0xf3: {  	v54 =	vld.idx.msk [tilespmem:v49+s2+$0x0], $0xffff;
	vm9 =	vle.f32 v44, v7;
	v19 =	vsel vm6, v29, v19;
	vm8 =	vle.f32 v43, v9  }
0xf4: {  	v55 =	vld.idx.msk [tilespmem:v50+s2+$0x0], $0xffff;
	v20 =	vsel vm7, v30, v20;
	v15 =	vsel vm9, v32, v15;
	vm10 =	vle.f32 v45, v6  }
0xf5: {  	vm11 =	vle.f32 v46, v5;
	v27 =	vadd.s32 $0x1, v18;
	v21 =	vsel vm8, v31, v21  }
0xf6: {  	v22 =	vsel vm10, v33, v22;
	v23 =	vsel vm11, v34, v23;
	vm12 =	vle.f32 v47, v4  }
0xf7: {  	vm13 =	vle.f32 v48, v3;
	v29 =	vadd.s32 $0x1, v19;
	v30 =	vadd.s32 $0x1, v20  }
0xf8: {  	v32 =	vadd.s32 $0x1, v15;
	v57 =	vmin.u32 v27, $0xBF;
	v24 =	vsel vm12, v35, v24  }
0xf9: {  	vm14 =	vle.f32 v54, v2;
	v25 =	vsel vm13, v36, v25;
	vm15 =	vle.f32 v55, v1  }
0xfa: {  	v31 =	vadd.s32 $0x1, v21;
	v33 =	vadd.s32 $0x1, v22;
	v34 =	vadd.s32 $0x1, v23  }
0xfb: {  	v58 =	vmin.u32 v29, $0xBF;
	v59 =	vmin.u32 v30, $0xBF;
	v61 =	vmin.u32 v32, $0xBF  }
0xfc: {  	v55 =	vand.u32 $0xF8, v57;
	v40 =	vand.u32 $0x7, v57;
	v28 =	vsel vm14, v37, v26  }
0xfd: {  	v16 =	vsel vm15, v38, v16;
	v26 =	vadd.s32 $0x1, v17;
	v35 =	vadd.s32 $0x1, v24  }
0xfe: {  	v36 =	vadd.s32 $0x1, v25;
	v60 =	vmin.u32 v31, $0xBF;
	v62 =	vmin.u32 v33, $0xBF  }
0xff: {  	v63 =	vmin.u32 v34, $0xBF;
	v51 =	vadd.s32 v14, v55;
	v41 =	vand.u32 $0x7, v58  }
0x100: {  	v57 =	vand.u32 $0xF8, v59;
	v42 =	vand.u32 $0x7, v59;
	v59 =	vand.u32 $0xF8, v61  }
0x101: {  	v44 =	vand.u32 $0x7, v61;
	v38 =	vadd.s32 $0x1, v28;
	v39 =	vadd.s32 $0x1, v16  }
0x102: {  	v56 =	vmin.u32 v26, $0xBF;
	v47 =	vmin.u32 v35, $0xBF;
	v48 =	vmin.u32 v36, $0xBF  }
0x103: {  	v40 =	vor.u32 v40, v51;
	v51 =	vadd.s32 v14, v57;
	v43 =	vand.u32 $0x7, v60  }
0x104: {  	v61 =	vand.u32 $0xF8, v62;
	v45 =	vand.u32 $0x7, v62;
	v62 =	vand.u32 $0xF8, v63  }
0x105: {  	v54 =	vand.u32 $0xF8, v56;
	v37 =	vand.u32 $0x7, v56;
	v56 =	vand.u32 $0xF8, v58  }
0x106: {  	v42 =	vor.u32 v42, v51;
	v58 =	vand.u32 $0xF8, v60;
	v60 =	vadd.s32 v14, v59  }
0x107: {  	v46 =	vand.u32 $0x7, v63;
	v51 =	vadd.s32 v8, v61;
	v44 =	vor.u32 v44, v60  }
0x108: {  	v49 =	vmin.u32 v38, $0xBF;
	v53 =	vadd.s32 v8, v62;
	v45 =	vor.u32 v45, v51  }
0x109: {  	v63 =	vand.u32 $0xF8, v47;
	v50 =	vadd.s32 v14, v54;
	v46 =	vor.u32 v46, v53  }
0x10a: {  	v47 =	vand.u32 $0x7, v47;
	v37 =	vor.u32 v37, v50;
	v50 =	vadd.s32 v14, v56;
	v40 =	vld.idx.msk [tilespmem:v40+s2+$0x0], $0xffff  }
0x10b: {  	v54 =	vand.u32 $0xF8, v48;
	v41 =	vor.u32 v41, v50;
	v50 =	vadd.s32 v14, v58;
	v42 =	vld.idx.msk [tilespmem:v42+s2+$0x0], $0xffff  }
0x10c: {  	v55 =	vand.u32 $0xF8, v49;
	v43 =	vor.u32 v43, v50;
	v50 =	vadd.s32 v8, v63;
	v44 =	vld.idx.msk [tilespmem:v44+s2+$0x0], $0xffff  }
0x10d: {  	v49 =	vand.u32 $0x7, v49;
	v47 =	vor.u32 v47, v50;
	v50 =	vadd.s32 v8, v55;
	v45 =	vld.idx.msk [tilespmem:v45+s2+$0x0], $0xffff  }
0x10e: {  	v48 =	vand.u32 $0x7, v48;
	v51 =	vadd.s32 v8, v54;
	v49 =	vor.u32 v49, v50;
	v46 =	vld.idx.msk [tilespmem:v46+s2+$0x0], $0xffff  }
0x10f: {  	v52 =	vmin.u32 v39, $0xBF;
	v48 =	vor.u32 v48, v51;
	v37 =	vld.idx.msk [tilespmem:v37+s2+$0x0], $0xffff  }
0x110: {  	v56 =	vand.u32 $0xF8, v52  }
0x111: {  	v57 =	vand.u32 $0x7, v52;
	v51 =	vadd.s32 v8, v56  }
0x112: {  	v50 =	vor.u32 v57, v51;
	v41 =	vld.idx.msk [tilespmem:v41+s2+$0x0], $0xffff;
	vm5 =	vle.f32 v40, v12;
	vm7 =	vle.f32 v42, v10  }
0x113: {  	v59 =	vld.idx.msk [tilespmem:v49+s2+$0x0], $0xffff;
	v49 =	vsel vm5, v27, v18;
	v42 =	vsel vm7, v30, v20;
	vm9 =	vle.f32 v44, v7  }
0x114: {  	v58 =	vld.idx.msk [tilespmem:v48+s2+$0x0], $0xffff;
	vm10 =	vle.f32 v45, v6;
	vm11 =	vle.f32 v46, v5;
	vm4 =	vle.f32 v37, v13  }
0x115: {  	v43 =	vld.idx.msk [tilespmem:v43+s2+$0x0], $0xffff;
	v61 =	vsel vm9, v32, v15;
	v33 =	vsel vm10, v33, v22;
	v27 =	vmin.u32 v49, $0xBE  }
0x116: {  	[tilespmem:$0x1FF90] =	vst v7;
	v44 =	vmin.u32 v42, $0xBE;
	v53 =	vand.u32 $0xFFFFFFF8, v49;
	v54 =	vand.u32 $0x7, v49  }
0x117: {  	[tilespmem:$0x1FFA0] =	vst v6;
	v6 =	vand.u32 $0xFFFFFFF8, v42;
	v7 =	vand.u32 $0x7, v42;
	v42 =	vadd.s32 $0xFFFFFFFF, v42  }
0x118: {  	v47 =	vld.idx.msk [tilespmem:v47+s2+$0x0], $0xffff;
	v48 =	vsel vm4, v26, v17;
	vm6 =	vle.f32 v41, v11;
	v26 =	vsel vm11, v34, v23  }
0x119: {  	vm13 =	vle.f32 v58, v3;
	v30 =	vmin.u32 v61, $0xBE;
	v18 =	vadd.s32 v14, v6  }
0x11a: {  	v41 =	vsel vm6, v29, v19;
	vm8 =	vle.f32 v43, v9;
	v37 =	vsel vm13, v36, v25  }
0x11b: {  	v46 =	vmin.u32 v48, $0xBE;
	v29 =	vmin.u32 v33, $0xBE;
	v62 =	vadd.s32 $0x1, v30  }
0x11c: {  	v50 =	vld.idx.msk [tilespmem:v50+s2+$0x0], $0xffff;
	v51 =	vand.u32 $0xFFFFFFF8, v48;
	v52 =	vand.u32 $0x7, v48;
	v56 =	vor.u32 v7, v18  }
0x11d: {  	v60 =	vsel vm8, v31, v21;
	vm12 =	vle.f32 v47, v4;
	v45 =	vmin.u32 v41, $0xBE  }
0x11e: {  	v47 =	vadd.s32 $0x1, v44;
	v63 =	vadd.s32 $0x1, v29;
	v22 =	vmin.u32 v37, $0xBE  }
0x11f: {  	[tilespmem:$0x1FFC0] =	vst v4;
	v15 =	vadd.s32 v14, v51;
	v55 =	vand.u32 $0xFFFFFFF8, v41;
	v4 =	vand.u32 $0x7, v41  }
0x120: {  	v51 =	vand.u32 $0xFFFFFFF8, v61;
	v41 =	vadd.s32 $0xFFFFFFFF, v41;
	v40 =	vsel vm12, v35, v24  }
0x121: {  	vm14 =	vle.f32 v59, v2;
	vm15 =	vle.f32 v50, v1;
	v43 =	vmin.u32 v60, $0xBE  }
0x122: {  	[tilespmem:$0x1FF80] =	vst v9;
	v31 =	vadd.s32 $0x1, v22;
	v58 =	vor.u32 v52, v15;
	v15 =	vadd.s32 v14, v53  }
0x123: {  	[tilespmem:$0x1FFB0] =	vst v5;
	v5 =	vadd.s32 v14, v55;
	v9 =	vand.u32 $0xFFFFFFF8, v60;
	v21 =	vand.u32 $0x7, v60  }
0x124: {  	v53 =	vand.u32 $0x7, v61;
	v55 =	vand.u32 $0x7, v33;
	v61 =	vadd.s32 $0xFFFFFFFF, v61  }
0x125: {  	[tilespmem:$0x1FFF0] =	vst v1;
	v1 =	vand.u32 $0x7, v46;
	v34 =	vsel vm14, v38, v28;
	v32 =	vsel vm15, v39, v16  }
0x126: {  	v16 =	vadd.s32 $0x1, v46;
	v38 =	vadd.s32 $0x1, v27;
	v39 =	vadd.s32 $0x1, v45  }
0x127: {  	v50 =	vadd.s32 $0x1, v43;
	v28 =	vmin.u32 v26, $0xBE;
	v25 =	vmin.u32 v40, $0xBE  }
0x128: {  	v57 =	vor.u32 v54, v15;
	v20 =	vadd.s32 v14, v9;
	v59 =	vor.u32 v4, v5  }
0x129: {  	v54 =	vand.u32 $0xFFFFFFF8, v33;
	v15 =	vadd.s32 v14, v51;
	v4 =	vand.u32 $0xFFFFFFF8, v26  }
0x12a: {  	v5 =	vand.u32 $0x7, v26;
	v6 =	vand.u32 $0xFFFFFFF8, v40;
	v7 =	vand.u32 $0x7, v40  }
0x12b: {  	v33 =	vadd.s32 $0xFFFFFFFF, v33;
	v26 =	vadd.s32 $0xFFFFFFFF, v26;
	v36 =	vadd.s32 $0x1, v28  }
0x12c: {  	v52 =	vor.u32 v21, v20;
	v18 =	vadd.s32 v8, v54;
	v21 =	vor.u32 v53, v15  }
0x12d: {  	v15 =	vadd.s32 v8, v4;
	v9 =	vadd.s32 v8, v6;
	v4 =	vand.u32 $0xFFFFFFF8, v37  }
0x12e: {  	v6 =	vand.u32 $0xFFFFFFF8, v34;
	v19 =	vor.u32 v55, v18;
	v20 =	vor.u32 v5, v15  }
0x12f: {  	v5 =	vand.u32 $0x7, v37;
	v54 =	vadd.s32 v8, v4;
	v55 =	vand.u32 $0x7, v34  }
0x130: {  	v53 =	vadd.s32 v8, v6;
	v18 =	vor.u32 v7, v9;
	v7 =	vand.u32 $0xFFFFFFF8, v32  }
0x131: {  	v9 =	vand.u32 $0x7, v32;
	v4 =	vand.u32 $0x1F8, v16;
	v6 =	vand.u32 $0x1F8, v38  }
0x132: {  	v38 =	vand.u32 $0x7, v38;
	v17 =	vor.u32 v5, v54;
	v15 =	vor.u32 v55, v53  }
0x133: {  	v51 =	vadd.s32 v8, v7;
	v5 =	vand.u32 $0x7, v16;
	v54 =	vadd.s32 v14, v4  }
0x134: {  	v7 =	vand.u32 $0x1F8, v39;
	v16 =	vor.u32 v9, v51;
	v54 =	vor.u32 v5, v54  }
0x135: {  	v51 =	vadd.s32 v14, v6;
	v9 =	vand.u32 $0x7, v39;
	v4 =	vadd.s32 v14, v7  }
0x136: {  	v5 =	vand.u32 $0x1F8, v47;
	v47 =	vand.u32 $0x7, v47;
	v6 =	vand.u32 $0x1F8, v50  }
0x137: {  	v50 =	vand.u32 $0x7, v50;
	v7 =	vadd.s32 $0xFFFFFFFF, v48;
	v53 =	vor.u32 v38, v51  }
0x138: {  	v51 =	vadd.s32 v14, v5;
	v0 =	vadd.s32 v14, v6;
	v55 =	vor.u32 v9, v4  }
0x139: {  	v38 =	vand.u32 $0x7, v62;
	v9 =	vand.u32 $0xFFFFFFF8, v7;
	v39 =	vand.u32 $0x7, v7  }
0x13a: {  	v4 =	vand.u32 $0xFFFFFFF8, v41;
	v41 =	vand.u32 $0x7, v41;
	v5 =	vand.u32 $0xFFFFFFF8, v42  }
0x13b: {  	v6 =	vadd.s32 $0xFFFFFFFF, v60;
	v42 =	vand.u32 $0x7, v42;
	v7 =	vand.u32 $0xFFFFFFF8, v61  }
0x13c: {  	v51 =	vor.u32 v47, v51;
	v50 =	vor.u32 v50, v0;
	v0 =	vand.u32 $0x1F8, v62  }
0x13d: {  	v62 =	vadd.s32 $0xFFFFFFFF, v49;
	v47 =	vadd.s32 v14, v9;
	v60 =	vand.u32 $0xFFFFFFF8, v6  }
0x13e: {  	v9 =	vand.u32 $0x7, v61;
	v0 =	vadd.s32 v14, v0;
	v49 =	vand.u32 $0xFFFFFFF8, v62  }
0x13f: {  	v48 =	vand.u32 $0x7, v62;
	v39 =	vor.u32 v39, v47;
	v49 =	vadd.s32 v14, v49  }
0x140: {  	v60 =	vadd.s32 v14, v60;
	v47 =	vor.u32 v48, v49;
	v48 =	vadd.s32 v14, v4  }
0x141: {  	v49 =	vand.u32 $0x7, v6;
	v48 =	vor.u32 v41, v48;
	v41 =	vadd.s32 v14, v5  }
0x142: {  	v61 =	vld.idx.msk [tilespmem:v58+s2+$0x0], $0xffff;
	v6 =	vand.u32 $0x7, v26;
	v5 =	vand.u32 $0xFFFFFFF8, v26;
	v42 =	vor.u32 v42, v41  }
0x143: {  	v58 =	vld.idx.msk [tilespmem:v58+s10+$0x0], $0xffff;
	v41 =	vadd.s32 v14, v7;
	v7 =	vadd.s32 v8, v5;
	v5 =	vand.u32 $0x1F8, v63  }
0x144: {  	v62 =	vor.u32 v49, v60;
	v63 =	vand.u32 $0x7, v63;
	v4 =	vld.idx.msk [tilespmem:v39+s10+$0x0], $0xffff;
	v39 =	vadd.s32 v8, v5  }
0x145: {  	v60 =	vand.u32 $0xFFFFFFF8, v33;
	v33 =	vand.u32 $0x7, v33;
	v39 =	vor.u32 v63, v39;
	v63 =	vld.idx.msk [tilespmem:v57+s2+$0x0], $0xffff  }
0x146: {  	v49 =	vor.u32 v9, v41;
	v9 =	vadd.s32 v8, v60;
	v41 =	vor.u32 v38, v0;
	v57 =	vld.idx.msk [tilespmem:v57+s10+$0x0], $0xffff  }
0x147: {  	v38 =	vor.u32 v6, v7;
	v6 =	vand.u32 $0x1F8, v36;
	v36 =	vand.u32 $0x7, v36;
	v60 =	vld.idx.msk [tilespmem:v47+s10+$0x0], $0xffff  }
0x148: {  	v33 =	vor.u32 v33, v9;
	v7 =	vadd.s32 v8, v6;
	v6 =	vand.u32 $0x1F8, v31;
	v9 =	vld.idx.msk [tilespmem:v48+s10+$0x0], $0xffff  }
0x149: {  	v31 =	vand.u32 $0x7, v31;
	v36 =	vor.u32 v36, v7;
	v7 =	vadd.s32 v8, v6;
	v47 =	vld.idx.msk [tilespmem:v62+s10+$0x0], $0xffff  }
0x14a: {  	v23 =	vmin.u32 v34, $0xBE;
	v31 =	vor.u32 v31, v7;
	v7 =	vand.u32 $0xF8, v46;
	v46 =	vld.idx.msk [tilespmem:v59+s2+$0x0], $0xffff  }
0x14b: {  	v35 =	vadd.s32 $0x1, v25;
	v24 =	vadd.s32 $0x1, v23;
	v59 =	vld.idx.msk [tilespmem:v59+s10+$0x0], $0xffff  }
0x14c: {  	v26 =	vmin.u32 v32, $0xBE;
	v5 =	vand.u32 $0x1F8, v35;
	v35 =	vand.u32 $0x7, v35;
	v48 =	vld.idx.msk [tilespmem:v42+s10+$0x0], $0xffff  }
0x14d: {  	v6 =	vand.u32 $0x1F8, v24;
	v24 =	vand.u32 $0x7, v24;
	v62 =	vadd.s32 v8, v5;
	v42 =	vld.idx.msk [tilespmem:v49+s10+$0x0], $0xffff  }
0x14e: {  	v5 =	vadd.s32 $0x1, v26;
	v35 =	vor.u32 v35, v62;
	v62 =	vadd.s32 v8, v6;
	v49 =	vld.idx.msk [tilespmem:v33+s10+$0x0], $0xffff  }
0x14f: {  	v0 =	vand.u32 $0x1F8, v5;
	v24 =	vor.u32 v24, v62;
	v62 =	vadd.s32 v14, v7;
	v33 =	vld.idx.msk [tilespmem:v38+s10+$0x0], $0xffff  }
0x150: {  	[tilespmem:$0x1FFE0] =	vst v2;
	v2 =	vadd.s32 v8, v0;
	v0 =	vand.u32 $0xF8, v27;
	v1 =	vor.u32 v1, v62;
	v62 =	vld.idx.msk [tilespmem:v56+s2+$0x0], $0xffff  }
0x151: {  	v27 =	vand.u32 $0x7, v27;
	v38 =	vand.u32 $0x7, v5;
	v0 =	vadd.s32 v14, v0;
	v56 =	vld.idx.msk [tilespmem:v56+s10+$0x0], $0xffff  }
0x152: {  	[tilespmem:$0x1FFD0] =	vst v3;
	v5 =	vand.u32 $0xF8, v45;
	v45 =	vand.u32 $0x7, v45;
	v3 =	vor.u32 v27, v0;
	v27 =	vld.idx.msk [tilespmem:v54+s2+$0x0], $0xffff  }
0x153: {  	v7 =	vor.u32 v38, v2;
	v0 =	vand.u32 $0xF8, v44;
	v38 =	vadd.s32 v14, v5;
	v54 =	vld.idx.msk [tilespmem:v54+s10+$0x0], $0xffff  }
0x154: {  	v44 =	vand.u32 $0x7, v44;
	v57 =	vadd.f32 v57, v60;
	v60 =	vld.idx.msk [tilespmem:v20+s2+$0x0], $0xffff;
	v0 =	vadd.s32 v14, v0  }
0x155: {  	v6 =	vand.u32 $0xF8, v43;
	v38 =	vor.u32 v45, v38;
	v2 =	vor.u32 v44, v0;
	v44 =	vld.idx.msk [tilespmem:v52+s2+$0x0], $0xffff  }
0x156: {  	v40 =	vadd.s32 $0xFFFFFFFF, v40;
	v43 =	vand.u32 $0x7, v43;
	v45 =	vadd.s32 v14, v6;
	v52 =	vld.idx.msk [tilespmem:v52+s10+$0x0], $0xffff  }
0x157: {  	v37 =	vadd.s32 $0xFFFFFFFF, v37;
	v5 =	vand.u32 $0xFFFFFFF8, v40;
	v43 =	vor.u32 v43, v45;
	v0 =	vld.idx.msk [tilespmem:v53+s2+$0x0], $0xffff  }
0x158: {  	v40 =	vand.u32 $0x7, v40;
	v6 =	vand.u32 $0xFFFFFFF8, v37;
	v45 =	vadd.s32 v8, v5;
	v1 =	vld.idx.msk [tilespmem:v1+s10+$0x0], $0xffff  }
0x159: {  	v37 =	vand.u32 $0x7, v37;
	v40 =	vor.u32 v40, v45;
	v45 =	vadd.s32 v8, v6;
	v3 =	vld.idx.msk [tilespmem:v3+s10+$0x0], $0xffff  }
0x15a: {  	v37 =	vor.u32 v37, v45;
	v38 =	vld.idx.msk [tilespmem:v38+s10+$0x0], $0xffff  }
0x15b: {  	v45 =	vadd.s32 $0xFFFFFFFF, v34;
	v27 =	vsub.f32 v27, v61;
	v6 =	vld.idx.msk [tilespmem:v2+s10+$0x0], $0xffff  }
0x15c: {  	v34 =	vand.u32 $0xFFFFFFF8, v45;
	v43 =	vld.idx.msk [tilespmem:v43+s10+$0x0], $0xffff  }
0x15d: {  	v5 =	vadd.s32 v8, v34;
	vm4 =	vlt.f32 v27, $9.999999740e-06;
	v2 =	vld.idx.msk [tilespmem:v39+s2+$0x0], $0xffff  }
0x15e: {  	v0 =	vsub.f32 v0, v63;
	v47 =	vadd.f32 v52, v47;
	v52 =	vld [tilespmem:$0x1FF90];
	v27 =	vsel vm4, $0x3F800000, v27  }
0x15f: {  	(erf) = vrcp.f32 v27;
	v27 =	vand.u32 $0x7, v45;
	v45 =	vadd.s32 $0xFFFFFFFF, v32;
	v37 =	vld.idx.msk [tilespmem:v37+s10+$0x0], $0xffff  }
0x160: {  	v34 =	vand.u32 $0xFFFFFFF8, v45;
	v32 =	vor.u32 v27, v5;
	v5 =	vand.u32 $0x7, v45;
	v45 =	vld.idx.msk [tilespmem:v53+s10+$0x0], $0xffff  }
0x161: {  	vm5 =	vlt.f32 v0, $9.999999740e-06;
	v27 =	vld.idx.msk [tilespmem:v55+s2+$0x0], $0xffff  }
0x162: {  	v53 =	vld.idx.msk [tilespmem:v55+s10+$0x0], $0xffff;
	v0 =	vsel vm5, $0x3F800000, v0;
	v34 =	vadd.s32 v8, v34  }
0x163: {  	(erf) = vrcp.f32 v0;
	v0 =	vld.idx.msk [tilespmem:v51+s2+$0x0], $0xffff;
	v34 =	vor.u32 v5, v34;
	v5 =	vand.u32 $0xF8, v30  }
0x164: {  	v55 =	vand.u32 $0xF8, v29;
	v51 =	vld.idx.msk [tilespmem:v51+s10+$0x0], $0xffff;
	v30 =	vand.u32 $0x7, v30;
	v14 =	vadd.s32 v14, v5  }
0x165: {  	v30 =	vor.u32 v30, v14;
	v14 =	vadd.s32 v8, v55;
	v55 =	vld.idx.msk [tilespmem:v50+s2+$0x0], $0xffff  }
0x166: {  	v4 =	vadd.f32 v58, v4;
	v58 =	vand.u32 $0xF8, v25;
	v50 =	vld.idx.msk [tilespmem:v50+s10+$0x0], $0xffff  }
0x167: {  	v29 =	vand.u32 $0x7, v29;
	v5 =	vand.u32 $0xF8, v28;
	v3 =	vadd.f32 v45, v3;
	v45 =	vld.idx.msk [tilespmem:v18+s2+$0x0], $0xffff  }
0x168: {  	v5 =	vadd.s32 v8, v5;
	v29 =	vor.u32 v29, v14;
	v14 =	vand.u32 $0x7, v28;
	v18 =	vld.idx.msk [tilespmem:v18+s10+$0x0], $0xffff  }
0x169: {  	v28 =	vor.u32 v14, v5;
	v14 =	vadd.s32 v8, v58;
	v58 =	vld.idx.msk [tilespmem:v21+s2+$0x0], $0xffff  }
0x16a: {  	v6 =	vadd.f32 v51, v6;
	v51 =	vld.idx.msk [tilespmem:v7+s2+$0x0], $0xffff  }
0x16b: {  	v21 =	vld.idx.msk [tilespmem:v21+s10+$0x0], $0xffff  }
0x16c: {  	v25 =	vand.u32 $0x7, v25;
	v7 =	vld.idx.msk [tilespmem:v7+s10+$0x0], $0xffff  }
0x16d: {  	v25 =	vor.u32 v25, v14;
	v14 =	vsub.f32 v27, v46;
	v27 =	vld.idx.msk [tilespmem:v19+s2+$0x0], $0xffff  }
0x16e: {  	v11 =	vsub.f32 v11, v46;
	v46 =	vld.idx.msk [tilespmem:v24+s2+$0x0], $0xffff  }
0x16f: {  	v13 =	vsub.f32 v13, v61;
	v19 =	vld.idx.msk [tilespmem:v19+s10+$0x0], $0xffff  }
0x170: {  	v12 =	vsub.f32 v12, v63;
	v24 =	vld.idx.msk [tilespmem:v24+s10+$0x0], $0xffff;
	v61 =	vpop (erf)  }
0x171: {  	v1 =	vadd.f32 v54, v1;
	v54 =	vmul.f32 v61, v13;
	v13 =	vsub.f32 v55, v44;
	v55 =	vld.idx.msk [tilespmem:v41+s2+$0x0], $0xffff  }
0x172: {  	v9 =	vadd.f32 v59, v9;
	v48 =	vadd.f32 v56, v48;
	v30 =	vld.idx.msk [tilespmem:v30+s10+$0x0], $0xffff  }
0x173: {  	v10 =	vsub.f32 v10, v62;
	v1 =	vsub.f32 v1, v4;
	v41 =	vld.idx.msk [tilespmem:v41+s10+$0x0], $0xffff  }
0x174: {  	v38 =	vadd.f32 v53, v38;
	vm6 =	vlt.f32 v14, $9.999999740e-06;
	v59 =	vadd.f32 v50, v43;
	v50 =	vld.idx.msk [tilespmem:v20+s10+$0x0], $0xffff  }
0x175: {  	v53 =	vand.u32 $0xF8, v26;
	v0 =	vsub.f32 v0, v62;
	v63 =	vsel vm6, $0x3F800000, v14;
	v14 =	vld.idx.msk [tilespmem:v17+s2+$0x0], $0xffff  }
0x176: {  	v26 =	vand.u32 $0x7, v26;
	v3 =	vsub.f32 v3, v57;
	v38 =	vsub.f32 v38, v9;
	v5 =	vpop (erf);
	v17 =	vld.idx.msk [tilespmem:v17+s10+$0x0], $0xffff  }
0x177: {  	vm7 =	vlt.f32 v0, $9.999999740e-06;
	v6 =	vsub.f32 v6, v48;
	v61 =	vmul.f32 v5, v12;
	v12 =	vld.idx.msk [tilespmem:v16+s2+$0x0], $0xffff  }
0x178: {  	v0 =	vsel vm7, $0x3F800000, v0;
	(erf) = vrcp.f32 v63;
	v1 =	vmul.f32 v1, v54;
	v54 =	vld.idx.msk [tilespmem:v31+s2+$0x0], $0xffff  }
0x179: {  	vm8 =	vlt.f32 v13, $9.999999740e-06;
	v5 =	vand.u32 $0xF8, v23;
	v23 =	vand.u32 $0x7, v23;
	v28 =	vld.idx.msk [tilespmem:v28+s10+$0x0], $0xffff  }
0x17a: {  	v20 =	vadd.f32 v21, v42;
	v21 =	vsub.f32 v52, v58;
	v42 =	vld.idx.msk [tilespmem:v32+s10+$0x0], $0xffff;
	(erf) = vrcp.f32 v0  }
0x17b: {  	v0 =	vsel vm8, $0x3F800000, v13;
	v13 =	vld.idx.msk [tilespmem:v15+s2+$0x0], $0xffff;
	v63 =	vadd.s32 v8, v5;
	v2 =	vsub.f32 v2, v27  }
0x17c: {  	v5 =	vld.idx.msk [tilespmem:v36+s2+$0x0], $0xffff;
	v19 =	vadd.f32 v19, v49;
	(erf) = vrcp.f32 v0;
	v0 =	vand.u32 $0xF8, v22  }
0x17d: {  	v15 =	vld.idx.msk [tilespmem:v15+s10+$0x0], $0xffff;
	v22 =	vand.u32 $0x7, v22;
	v3 =	vmul.f32 v3, v61;
	v1 =	vadd.f32 v1, v4  }
0x17e: {  	v61 =	vld [tilespmem:$0x1FF80];
	v0 =	vadd.s32 v8, v0;
	vm10 =	vlt.f32 v2, $9.999999740e-06;
	v8 =	vadd.s32 v8, v53  }
0x17f: {  	v49 =	vld [tilespmem:$0x1FFD0];
	v0 =	vor.u32 v22, v0;
	v22 =	vor.u32 v23, v63;
	v63 =	vsub.f32 v55, v58  }
0x180: {  	v55 =	vld.idx.msk [tilespmem:v35+s2+$0x0], $0xffff;
	v3 =	vadd.f32 v3, v57;
	v2 =	vsel vm10, $0x3F800000, v2;
	v8 =	vor.u32 v26, v8  }
0x181: {  	v16 =	vld.idx.msk [tilespmem:v16+s10+$0x0], $0xffff;
	v17 =	vadd.f32 v17, v37;
	v1 =	vmul.f32 $5.000000000e-01, v1;
	vm9 =	vlt.f32 v63, $9.999999740e-06  }
0x182: {  	v36 =	vld.idx.msk [tilespmem:v36+s10+$0x0], $0xffff;
	v5 =	vsub.f32 v5, v60;
	v52 =	vadd.f32 v15, v42;
	v23 =	vsel vm9, $0x3F800000, v63  }
0x183: {  	v3 =	vmul.f32 $5.000000000e-01, v3;
	v43 =	vsub.f32 v61, v44;
	v61 =	vld.idx.msk [tilespmem:v25+s10+$0x0], $0xffff;
	(erf) = vrcp.f32 v23  }
0x184: {  	v23 =	vld.idx.msk [tilespmem:v40+s10+$0x0], $0xffff;
	v40 =	vsub.f32 v59, v47;
	vm11 =	vlt.f32 v5, $9.999999740e-06;
	v59 =	vsub.f32 v54, v14;
	v56 =	vpop (erf)  }
0x185: {  	v14 =	vsub.f32 v49, v14;
	v58 =	vsub.f32 v55, v45;
	v0 =	vld.idx.msk [tilespmem:v0+s10+$0x0], $0xffff;
	v11 =	vmul.f32 v56, v11;
	v62 =	vpop (erf)  }
0x186: {  	v5 =	vsel vm11, $0x3F800000, v5;
	v22 =	vld.idx.msk [tilespmem:v22+s10+$0x0], $0xffff;
	(erf) = vrcp.f32 v2;
	v10 =	vmul.f32 v62, v10  }
0x187: {  	v2 =	vld.idx.msk [tilespmem:v29+s10+$0x0], $0xffff;
	vm13 =	vlt.f32 v59, $9.999999740e-06;
	vm12 =	vlt.f32 v58, $9.999999740e-06;
	v38 =	vmul.f32 v38, v11  }
0x188: {  	v56 =	vld.idx.msk [tilespmem:v39+s10+$0x0], $0xffff;
	v63 =	vpop (erf);
	(erf) = vrcp.f32 v5;
	v6 =	vmul.f32 v6, v10;
	v10 =	vadd.f32 v41, v30  }
0x189: {  	v8 =	vld.idx.msk [tilespmem:v8+s10+$0x0], $0xffff;
	v43 =	vmul.f32 v63, v43;
	v18 =	vadd.f32 v18, v23;
	v4 =	vadd.f32 v38, v9  }
0x18a: {  	v55 =	vld [tilespmem:$0x1FFF0];
	v29 =	vsel vm13, $0x3F800000, v59;
	v9 =	vadd.f32 v50, v33;
	v38 =	vadd.f32 v36, v28  }
0x18b: {  	v63 =	vld.idx.msk [tilespmem:v35+s10+$0x0], $0xffff;
	v44 =	vmul.f32 v40, v43;
	v40 =	vsub.f32 v46, v13;
	v43 =	vsub.f32 v51, v12  }
0x18c: {  	v62 =	vsel vm12, $0x3F800000, v58;
	v35 =	vld.idx.msk [tilespmem:v31+s10+$0x0], $0xffff;
	v53 =	vadd.f32 v24, v22;
	v6 =	vadd.f32 v6, v48  }
0x18d: {  	(erf) = vrcp.f32 v62;
	v30 =	vld [tilespmem:$0x1FFA0];
	v2 =	vadd.f32 v56, v2;
	v10 =	vsub.f32 v10, v20  }
0x18e: {  	v41 =	vld [tilespmem:$0x1FFB0];
	v11 =	vadd.f32 v44, v47;
	vm14 =	vlt.f32 v40, $9.999999740e-06;
	vm15 =	vlt.f32 v43, $9.999999740e-06  }
0x18f: {  	v44 =	vld.idx.msk [tilespmem:v34+s10+$0x0], $0xffff;
	[tilespmem:s18+$0xFFFFFFB0] =	vst v3;
	v3 =	vadd.f32 v7, v8;
	v57 =	vpop (erf);
	(erf) = vrcp.f32 v29;
	v29 =	vsel vm14, $0x3F800000, v40  }
0x190: {  	v46 =	vld [tilespmem:$0x1FFC0];
	v7 =	vsub.f32 v55, v12;
	v47 =	vsel vm15, $0x3F800000, v43;
	(erf) = vrcp.f32 v29  }
0x191: {  	v58 =	vsub.f32 v53, v52;
	v5 =	vadd.f32 v63, v61;
	v39 =	vpop (erf);
	(erf) = vrcp.f32 v47  }
0x192: {  	v4 =	vmul.f32 $5.000000000e-01, v4;
	v0 =	vadd.f32 v35, v0;
	v2 =	vsub.f32 v2, v19  }
0x193: {  	[tilespmem:s18+$0xFFFFFFA0] =	vst v1;
	v1 =	vld [tilespmem:$0x1FFE0];
	v6 =	vmul.f32 $5.000000000e-01, v6;
	v21 =	vmul.f32 v57, v21;
	v26 =	vsub.f32 v30, v27  }
0x194: {  	v28 =	vsub.f32 v41, v60;
	v27 =	vsub.f32 v38, v9;
	v57 =	vmul.f32 $5.000000000e-01, v11  }
0x195: {  	v25 =	vsub.f32 v46, v45;
	v10 =	vmul.f32 v10, v21;
	v26 =	vmul.f32 v39, v26;
	v48 =	vpop (erf)  }
0x196: {  	v5 =	vsub.f32 v5, v18;
	v0 =	vsub.f32 v0, v17;
	v21 =	vmul.f32 v48, v28  }
0x197: {  	v54 =	vadd.f32 v16, v44;
	v50 =	vpop (erf);
	v2 =	vmul.f32 v2, v26;
	v10 =	vadd.f32 v10, v20  }
0x198: {  	v1 =	vsub.f32 v1, v13;
	v25 =	vmul.f32 v50, v25;
	v21 =	vmul.f32 v27, v21;
	v51 =	vpop (erf)  }
0x199: {  	v3 =	vsub.f32 v3, v54;
	v61 =	vmul.f32 $5.000000000e-01, v10;
	v14 =	vmul.f32 v51, v14;
	v56 =	vpop (erf)  }
0x19a: {  	[tilespmem:s18+$0xFFFFFFC0] =	vst v4;
	v2 =	vadd.f32 v2, v19;
	v5 =	vmul.f32 v5, v25;
	v1 =	vmul.f32 v56, v1;
	v59 =	vpop (erf)  }
0x19b: {  	[tilespmem:s18+$0xFFFFFFD0] =	vst v6;
	v9 =	vadd.f32 v21, v9;
	v0 =	vmul.f32 v0, v14;
	v60 =	vmul.f32 v59, v7  }
0x19c: {  	[tilespmem:s18+$0xFFFFFFE0] =	vst v57;
	v2 =	vmul.f32 $5.000000000e-01, v2;
	v62 =	vadd.f32 v5, v18;
	v1 =	vmul.f32 v58, v1  }
0x19d: {  	[tilespmem:s18+$0xFFFFFFF0] =	vst v61;
	v63 =	vmul.f32 $5.000000000e-01, v9;
	v0 =	vadd.f32 v0, v17;
	v3 =	vmul.f32 v3, v60  }
0x19e: {  	p0 =	sne.s32 s15, $0x3E;
	[tilespmem:s18+$0x0] =	vst v2;
	v2 =	vmul.f32 $5.000000000e-01, v62;
	v1 =	vadd.f32 v1, v52  }
.Ltmp0:
0x19f: {  	[tilespmem:s18+$0x10] =	vst v63;
	v3 =	vadd.f32 v3, v54;
	v0 =	vmul.f32 $5.000000000e-01, v0;
	(pc) =	sbr.rel @p0 .LBB2_3-.Ltmp0, $4  }
0x1a0: {  	[tilespmem:s18+$0x20] =	vst v2;
	v1 =	vmul.f32 $5.000000000e-01, v1  }
0x1a1: {  	[tilespmem:s18+$0x30] =	vst v0;
	v0 =	vmul.f32 $5.000000000e-01, v3  }
0x1a2: {  	[tilespmem:s18+$0x40] =	vst v1  }
0x1a3: {  	s15 =	sadd.s32 $0x2, s15;
	s17 =	sadd.s32 $0xC0, s17;
	[tilespmem:s18+$0x50] =	vst v0;
	v0 =	vimm.s32 $0x0;
	s18 =	sadd.s32 $0xC0, s18  }
0x1a4: {  	s14 =	sadd.s32 $0x1, s14  }
0x1a5: {  	p0 =	sne.s32 s14, $0x20  }
.Ltmp1:
0x1a6: {  	s15 =	sadd.s32 s6, s16;
	(pc) =	sbr.rel @p0 .LBB2_2-.Ltmp1, $4  }
0x1a7: {  	[hbm4b:s15+s2] =	stream.linear.scatter [tilespmem:s12], [sflag:$0x1], $0x1800, $0x38;
	[tilespmem:$0x9000] =	vst v63  }
0x1a8: {  	_ =	swait.ge [sflag:s9], $0x1800  }
0x1a9: {  	[sflag:s9] =	ssyncset.done $0x0  }
0x1aa: {  	[sflag:s9] =	ssyncadd.s32 $0xFFFFE800  }
0x1ab: {  	s13 =	sadd.s32 $0x1, s13  }
0x1ac: {  	p0 =	sne.s32 s13, s8  }
.Ltmp2:
0x1ad: {  	_ = 	snop;
	(pc) =	sbr.rel @p0 .LBB2_1-.Ltmp2, $1  }
0x1ae: {  	_ =	sdelay $0x3  }
0x1af: {  	_ =	sfence.sel $0x180000  }
0x1b0: {  	[bflag:$0x0] =	sbarrier.arrive $0xFFFF  }
0x1b1: {  	p0 =	sne.s32 s3, $0x0;
	_ =	strace $0x90000047  }
0x1b2: {  	s0 =	sadd.s32 @!p0 $0x100000, s0;
	[bflag:$0x2] =	sbarrier.arrive $0xFFFF  }
0x1b3: {  	[sflag:s0] =	ssyncadd.tile.s32 @!p0 $0x1;
	_ =	shalt  }
.Lfunc_end2:
_tile_overlayer_lowered:
.L_overlay_start_2:
0x1b4: {  	(tag) =	ssettag $0x2  }
0x1b5: {  	s0 =	rddreg [dreg:$0x0];
	s2 =	stileid.u32  }
0x1b6: {  	s1 =	rddreg [dreg:$0x1];
	p0 =	sne.s32 s2, $0x0  }
0x1b7: {  	s3 =	rddreg [dreg:$0x2];
	[bflag:$0x3] =	sbarrier.arrive $0xFFFF;
	s2 =	simm.s32 @!p0 $0x1C01  }
0x1b8: {  	[timem:s3], [sflag:s2] =	dma.local @!p0 [hbm:s0], s1  }
0x1b9: {  	s0 =	simm.s32 @!p0 $0x1  }
0x1ba: {  	_ =	swait.ge @!p0 [sflag:s0], s1  }
0x1bb: {  	s1 =	ssub.s32 @!p0 $0x0, s1;
	[sflag:s0] =	ssyncset.done @!p0 $0x0  }
0x1bc: {  	[sflag:s0] =	ssyncadd.s32 @!p0 s1  }
0x1bd: {  	[bflag:$0x3] =	sbarrier.arrive $0xFFFF  }
0x1be: {  	_ =	shalt  }

</sc_bundles>
